<compile_context>
chip_gen: v7x
topology: tpu7x:2x2x1
jax: 0.10.2.dev20260603
libtpu: 0.0.44.dev20260713+nightly
codegen_flags: <defaults>
</compile_context>

<pallas_src>
import functools

import jax
import jax.numpy as jnp
from jax import lax
from jax.experimental import pallas as pl
from jax.experimental.pallas import tpu as pltpu
from jax.experimental.pallas import tpu_sc as plsc

N_NODES = 10000
N_EDGES = 320000
D_FEAT = 128
D_EDGE = 16
IN_SIZE = D_FEAT + D_EDGE
HID = IN_SIZE * 2
CW = 128
CNT_COL = HID - 2 * CW

NSUB = 16
EB = 128
E_PAD = 327680
EBLKS = E_PAD // EB
BLKS_PER_CORE = EBLKS // 2
BLKS_PER_TILE = BLKS_PER_CORE // NSUB
CHUNK_BLKS = 16
CHUNKS = BLKS_PER_TILE // CHUNK_BLKS
N_PAD = 10240
ROWS_PER_TILE = N_PAD // NSUB

HID_PAD = 3 * CW
PASSES = ((0, 8, 8), (CW, 8, 8), (2 * CW, 2, 2))

NODE_BLK = 1000
EDGE_BLK = 8192



def _xw_body(x_ref, w_ref, b_ref, o0_ref, o1_ref, o2_ref):
    r = jnp.dot(x_ref[...], w_ref[...], preferred_element_type=jnp.float32)
    r = r + b_ref[...]
    n = r.shape[0]
    o0_ref[...] = r[:, :CW]
    o1_ref[...] = r[:, CW:2 * CW]
    o2_ref[...] = jnp.concatenate(
        [r[:, 2 * CW:], jnp.ones((n, 1), jnp.float32),
         jnp.zeros((n, CW - CNT_COL - 1), jnp.float32)], axis=1)


def _ew_body(ea_ref, w_ref, o_ref):
    o_ref[...] = jnp.dot(ea_ref[...], w_ref[...],
                         preferred_element_type=jnp.float32)



_SC_MESH = plsc.VectorSubcoreMesh(core_axis_name="c", subcore_axis_name="s")


@functools.partial(
    pl.kernel,
    out_type=[
        jax.ShapeDtypeStruct((2, N_PAD, CW), jnp.float32),
        jax.ShapeDtypeStruct((2, N_PAD, CW), jnp.float32),
        jax.ShapeDtypeStruct((2, N_PAD, CW), jnp.float32),
    ],
    mesh=_SC_MESH,
    scratch_types=[
        pltpu.VMEM((CHUNK_BLKS, EB), jnp.int32),
        pltpu.VMEM((CHUNK_BLKS, EB), jnp.int32),
        pltpu.VMEM((EB, CW), jnp.float32),
        pltpu.VMEM((EB, CW), jnp.float32),
        pltpu.VMEM_SHARED((N_PAD, CW), jnp.float32),
        pltpu.SemaphoreType.DMA,
        pltpu.SemaphoreType.DMA,
    ],
)
def _sc_aggregate(xw0_h, xw1_h, xw2_h, ew_h, row_h, col_h, zrow_h,
                  p0_o, p1_o, p2_o,
                  row_v, col_v, gbuf, ebuf, acc, sg, se):
    c = lax.axis_index("c")
    s = lax.axis_index("s")
    r0 = pl.multiple_of(s * ROWS_PER_TILE, 8)
    b0 = pl.multiple_of(c * BLKS_PER_CORE + s * BLKS_PER_TILE, 8)

    def run_pass(xw_h, ew_off, ew_nv, nv, out_ref):
        pltpu.sync_copy(zrow_h, acc.at[pl.ds(r0, ROWS_PER_TILE)])
        plsc.subcore_barrier()

        def chunk_body(ci, carry):
            ck = pl.multiple_of(b0 + ci * CHUNK_BLKS, 8)
            pltpu.sync_copy(row_h.at[pl.ds(ck, CHUNK_BLKS)], row_v)
            pltpu.sync_copy(col_h.at[pl.ds(ck, CHUNK_BLKS)], col_v)

            def blk_body(j, cr):
                e0 = pl.multiple_of((ck + j) * EB, 8)
                cp1 = pltpu.async_copy(xw_h.at[row_v.at[j]], gbuf, sg)
                cp2 = pltpu.async_copy(
                    ew_h.at[pl.ds(e0, EB), pl.ds(ew_off, CW)], ebuf, se)
                cp1.wait()
                cp2.wait()

                def row_body(jr, c2):
                    for u in range(2):
                        jo = 2 * jr + u
                        for k in range(nv):
                            sl = pl.ds(k * 16, 16)
                            g = gbuf[jo, sl]
                            if k < ew_nv:
                                g = g + ebuf[jo, sl]
                            gbuf[jo, sl] = jnp.maximum(g, 0.0)
                    return c2

                lax.fori_loop(0, EB // 2, row_body, 0)
                pltpu.sync_copy(gbuf, acc.at[col_v.at[j]], add=True)
                return cr

            lax.fori_loop(0, CHUNK_BLKS, blk_body, 0)
            return carry

        lax.fori_loop(0, CHUNKS, chunk_body, 0)
        plsc.subcore_barrier()
        pltpu.sync_copy(acc.at[pl.ds(r0, ROWS_PER_TILE)],
                        out_ref.at[c, pl.ds(r0, ROWS_PER_TILE)])

    run_pass(xw0_h, PASSES[0][0], PASSES[0][1], PASSES[0][2], p0_o)
    run_pass(xw1_h, PASSES[1][0], PASSES[1][1], PASSES[1][2], p1_o)
    run_pass(xw2_h, PASSES[2][0], PASSES[2][1], PASSES[2][2], p2_o)



def _node_body(x_ref, p0a_ref, p0b_ref, p1a_ref, p1b_ref, p2a_ref, p2b_ref,
               w2a_ref, w2b_ref, w2c_ref, b2_ref,
               w3x_ref, w3m_ref, b3_ref, w4_ref, b4_ref, o_ref):
    r0 = p0a_ref[0] + p0b_ref[0]
    r1 = p1a_ref[0] + p1b_ref[0]
    r2 = p2a_ref[0] + p2b_ref[0]
    cnt = r2[:, CNT_COL:CNT_COL + 1]
    inv = 1.0 / jnp.maximum(cnt, 1.0)
    gate = jnp.minimum(cnt, 1.0)
    m = jnp.dot(r0 * inv, w2a_ref[...], preferred_element_type=jnp.float32)
    m = m + jnp.dot(r1 * inv, w2b_ref[...], preferred_element_type=jnp.float32)
    m = m + jnp.dot(r2[:, :CNT_COL] * inv, w2c_ref[...],
                    preferred_element_type=jnp.float32)
    m = m + gate * b2_ref[...]
    h = jnp.dot(x_ref[...], w3x_ref[...], preferred_element_type=jnp.float32)
    h = h + jnp.dot(m, w3m_ref[...], preferred_element_type=jnp.float32)
    h = jnp.maximum(h + b3_ref[...], 0.0)
    o_ref[...] = jnp.dot(h, w4_ref[...],
                         preferred_element_type=jnp.float32) + b4_ref[...]



@jax.jit
def kernel(x, edge_index, edge_attr, W1, b1, W2, b2, W3, b3, W4, b4):
    row = jnp.pad(edge_index[0].astype(jnp.int32),
                  (0, E_PAD - N_EDGES)).reshape(EBLKS, EB)
    col = jnp.pad(edge_index[1].astype(jnp.int32), (0, E_PAD - N_EDGES),
                  constant_values=N_NODES).reshape(EBLKS, EB)

    xw0, xw1, xw2 = pl.pallas_call(
        _xw_body,
        grid=(N_NODES // NODE_BLK,),
        in_specs=[
            pl.BlockSpec((NODE_BLK, D_FEAT), lambda i: (i, 0)),
            pl.BlockSpec((D_FEAT, HID), lambda i: (0, 0)),
            pl.BlockSpec((1, HID), lambda i: (0, 0)),
        ],
        out_specs=[
            pl.BlockSpec((NODE_BLK, CW), lambda i: (i, 0)),
            pl.BlockSpec((NODE_BLK, CW), lambda i: (i, 0)),
            pl.BlockSpec((NODE_BLK, CW), lambda i: (i, 0)),
        ],
        out_shape=[
            jax.ShapeDtypeStruct((N_NODES, CW), jnp.float32),
            jax.ShapeDtypeStruct((N_NODES, CW), jnp.float32),
            jax.ShapeDtypeStruct((N_NODES, CW), jnp.float32),
        ],
    )(x, W1[:D_FEAT], b1.reshape(1, HID))

    w1e_pad = jnp.concatenate(
        [W1[D_FEAT:], jnp.zeros((D_EDGE, HID_PAD - HID), jnp.float32)], axis=1)
    ew = pl.pallas_call(
        _ew_body,
        grid=(N_EDGES // EDGE_BLK,),
        in_specs=[
            pl.BlockSpec((EDGE_BLK, D_EDGE), lambda i: (i, 0)),
            pl.BlockSpec((D_EDGE, HID_PAD), lambda i: (0, 0)),
        ],
        out_specs=pl.BlockSpec((EDGE_BLK, HID_PAD), lambda i: (i, 0)),
        out_shape=jax.ShapeDtypeStruct((E_PAD, HID_PAD), jnp.float32),
    )(edge_attr, w1e_pad)

    zrow = jnp.zeros((ROWS_PER_TILE, CW), jnp.float32)
    p0, p1, p2 = _sc_aggregate(xw0, xw1, xw2, ew, row, col, zrow)

    def blk(i):
        return (i, 0)

    out = pl.pallas_call(
        _node_body,
        grid=(N_NODES // NODE_BLK,),
        in_specs=[
            pl.BlockSpec((NODE_BLK, D_FEAT), blk),
            pl.BlockSpec((1, NODE_BLK, CW), lambda i: (0, i, 0)),
            pl.BlockSpec((1, NODE_BLK, CW), lambda i: (1, i, 0)),
            pl.BlockSpec((1, NODE_BLK, CW), lambda i: (0, i, 0)),
            pl.BlockSpec((1, NODE_BLK, CW), lambda i: (1, i, 0)),
            pl.BlockSpec((1, NODE_BLK, CW), lambda i: (0, i, 0)),
            pl.BlockSpec((1, NODE_BLK, CW), lambda i: (1, i, 0)),
            pl.BlockSpec((CW, HID), lambda i: (0, 0)),
            pl.BlockSpec((CW, HID), lambda i: (0, 0)),
            pl.BlockSpec((CNT_COL, HID), lambda i: (0, 0)),
            pl.BlockSpec((1, HID), lambda i: (0, 0)),
            pl.BlockSpec((D_FEAT, IN_SIZE), lambda i: (0, 0)),
            pl.BlockSpec((HID, IN_SIZE), lambda i: (0, 0)),
            pl.BlockSpec((1, IN_SIZE), lambda i: (0, 0)),
            pl.BlockSpec((IN_SIZE, D_FEAT), lambda i: (0, 0)),
            pl.BlockSpec((1, D_FEAT), lambda i: (0, 0)),
        ],
        out_specs=pl.BlockSpec((NODE_BLK, D_FEAT), blk),
        out_shape=jax.ShapeDtypeStruct((N_NODES, D_FEAT), jnp.float32),
    )(x, p0, p0, p1, p1, p2, p2, W2[:CW], W2[CW:2 * CW], W2[2 * CW:],
      b2.reshape(1, HID), W3[:D_FEAT], W3[D_FEAT:], b3.reshape(1, IN_SIZE),
      W4, b4.reshape(1, D_FEAT))
    return out

# --- scband reference (transcript-rebuilt; emitter-appended) ---
"""Pipeline reference for scband-node-model-5935644803811 (READ-ONLY COPY).

The authoritative reference and input builder live on the scoring server;
editing this copy changes nothing except your own understanding.
"""

import jax, jax.numpy as jnp
import numpy as np

N_NODES = 10000
N_EDGES = 320000
D_FEAT = 128
D_EDGE = 16
IN_SIZE = D_FEAT + D_EDGE  # 144
HID = IN_SIZE * 2          # 288


def _glorot(key, shape):
    fan_in = shape[0]
    lim = 1.0 / np.sqrt(fan_in)
    return jax.random.uniform(key, shape, dtype=jnp.float32, minval=-lim, maxval=lim)


def setup_inputs(seed: int = 0) -> dict:
    key = jax.random.key(seed)
    ks = jax.random.split(key, 12)
    x = jax.random.normal(ks[0], (N_NODES, D_FEAT), dtype=jnp.float32)
    edge_index = jax.random.randint(ks[1], (2, N_EDGES), 0, N_NODES, dtype=jnp.int64)
    edge_attr = jax.random.normal(ks[2], (N_EDGES, D_EDGE), dtype=jnp.float32)
    # node_mlp_1: Linear(144, 288) -> ReLU -> Linear(288, 288)
    W1 = _glorot(ks[3], (IN_SIZE, HID)); b1 = _glorot(ks[4], (HID,))
    W2 = _glorot(ks[5], (HID, HID));     b2 = _glorot(ks[6], (HID,))
    # node_mlp_2: Linear(128+288=416, 144) -> ReLU -> Linear(144, 128)
    W3 = _glorot(ks[7], (D_FEAT + HID, IN_SIZE)); b3 = _glorot(ks[8], (IN_SIZE,))
    W4 = _glorot(ks[9], (IN_SIZE, D_FEAT));       b4 = _glorot(ks[10], (D_FEAT,))
    return {"x": x, "edge_index": edge_index, "edge_attr": edge_attr,
            "W1": W1, "b1": b1, "W2": W2, "b2": b2,
            "W3": W3, "b3": b3, "W4": W4, "b4": b4}


def reference(x, edge_index, edge_attr, W1, b1, W2, b2, W3, b3, W4, b4):
    row = edge_index[0]
    col = edge_index[1]
    # gather source node features, concat edge features
    out = jnp.concatenate([jnp.take(x, row, axis=0), edge_attr], axis=1)
    # node_mlp_1
    out = jnp.maximum(out @ W1 + b1, 0.0) @ W2 + b2
    # scatter_mean over destination nodes
    n = x.shape[0]
    sums = jax.ops.segment_sum(out, col, num_segments=n)
    cnt = jax.ops.segment_sum(jnp.ones((col.shape[0],), dtype=out.dtype), col, num_segments=n)
    mean = sums / jnp.clip(cnt, 1.0, None)[:, None]
    # node_mlp_2
    h = jnp.concatenate([x, mean], axis=1)
    return jnp.maximum(h @ W3 + b3, 0.0) @ W4 + b4

if __name__ == "__main__":
    import jax
    _d = setup_inputs()
    print(jax.jit(kernel)(*tuple(_d.values())))

</pallas_src>

<mosaic_0001>
#map = affine_map<(d0, d1) -> (0, 0)>
#map1 = affine_map<(d0, d1) -> (0, 0, 0)>
module attributes {stable_mosaic.version = 14 : i64} {
  func.func @_sc_aggregate(%arg0: i32, %arg1: i32, %arg2: memref<10000x128xf32, #tpu.memory_space<hbm>>, %arg3: memref<10000x128xf32, #tpu.memory_space<hbm>>, %arg4: memref<10000x128xf32, #tpu.memory_space<hbm>>, %arg5: memref<327680x384xf32, #tpu.memory_space<hbm>>, %arg6: memref<2560x128xi32, #tpu.memory_space<hbm>>, %arg7: memref<2560x128xi32, #tpu.memory_space<hbm>>, %arg8: memref<640x128xf32, #tpu.memory_space<hbm>>, %arg9: memref<2x10240x128xf32, #tpu.memory_space<hbm>>, %arg10: memref<2x10240x128xf32, #tpu.memory_space<hbm>>, %arg11: memref<2x10240x128xf32, #tpu.memory_space<hbm>>, %arg12: memref<16x128xi32, #tpu.memory_space<vmem>>, %arg13: memref<16x128xi32, #tpu.memory_space<vmem>>, %arg14: memref<128x128xf32, #tpu.memory_space<vmem>>, %arg15: memref<128x128xf32, #tpu.memory_space<vmem>>, %arg16: memref<10240x128xf32, #tpu.memory_space<vmem_shared>>, %arg17: memref<!tpu.dma_semaphore, #tpu.memory_space<semaphore_mem>>, %arg18: memref<!tpu.dma_semaphore, #tpu.memory_space<semaphore_mem>>) attributes {dimension_semantics = [#tpu.dimension_semantics<core_parallel>, #tpu.dimension_semantics<subcore_parallel>], iteration_bounds = array<i64: 2, 16>, scalar_prefetch = 0 : i64, scratch_operands = 7 : i64, tpu.core_type = #tpu.core_type<sc_vector_subcore>, window_params = [{transform_indices = #map}, {transform_indices = #map}, {transform_indices = #map}, {transform_indices = #map}, {transform_indices = #map}, {transform_indices = #map}, {transform_indices = #map}, {transform_indices = #map1}, {transform_indices = #map1}, {transform_indices = #map1}]} {
    %mul3A = arith.constant 640 : i32
    %mul3A_0 = arith.muli %arg1, %mul3A : i32
    %multiple_of3A = tpu.assume_multiple %mul3A_0, 8 : i32
    %mul3A_1 = arith.constant 1280 : i32
    %mul3A_2 = arith.muli %arg0, %mul3A_1 : i32
    %mul3A_3 = arith.constant 80 : i32
    %mul3A_4 = arith.muli %arg1, %mul3A_3 : i32
    %add3A = arith.addi %mul3A_2, %mul3A_4 : i32
    %multiple_of3A_5 = tpu.assume_multiple %add3A, 8 : i32
    "tpu.region"() ({
      %run_scoped3A = tpu.sem_alloc : memref<!tpu.dma_semaphore, #tpu.memory_space<semaphore_mem>>
      %dma_start3A = arith.constant 0 : i32
      %dma_start3A_28 = tpu.memref_slice %arg16[%multiple_of3A, %dma_start3A] : memref<10240x128xf32, #tpu.memory_space<vmem_shared>> -> memref<640x128xf32, #tpu.memory_space<vmem_shared>>
      tpu.enqueue_dma source(%arg8 : memref<640x128xf32, #tpu.memory_space<hbm>>) target(%dma_start3A_28 : memref<640x128xf32, #tpu.memory_space<vmem_shared>>) target_semaphore(%run_scoped3A : memref<!tpu.dma_semaphore, #tpu.memory_space<semaphore_mem>>)
      %dma_wait3A = arith.constant 0 : i32
      %dma_wait3A_29 = tpu.memref_slice %arg16[%multiple_of3A, %dma_wait3A] : memref<10240x128xf32, #tpu.memory_space<vmem_shared>> -> memref<640x128xf32, #tpu.memory_space<vmem_shared>>
      tpu.wait_dma2 semaphore(%run_scoped3A : memref<!tpu.dma_semaphore, #tpu.memory_space<semaphore_mem>>) src(%arg8 : memref<640x128xf32, #tpu.memory_space<hbm>>) dst(%dma_wait3A_29 : memref<640x128xf32, #tpu.memory_space<vmem_shared>>)
      tpu.yield
    }) : () -> ()
    %barrier3A = arith.constant 0 : index
    tpu.barrier barrier_id(%barrier3A)
    %scan3A = arith.constant 0 : i32
    %scan3A_6 = arith.constant 0 : i32
    %scan3A_7 = arith.constant 5 : i32
    %scan3A_8 = arith.addi %scan3A_6, %scan3A_7 : i32
    %scan3A_9 = arith.constant 1 : i32
    scf.for %scan3A_28 = %scan3A_6 to %scan3A_8 step %scan3A_9  : i32 {
      %mul3A_29 = arith.constant 16 : i32
      %mul3A_30 = arith.muli %scan3A_28, %mul3A_29 : i32
      %add3A_31 = arith.addi %multiple_of3A_5, %mul3A_30 : i32
      %multiple_of3A_32 = tpu.assume_multiple %add3A_31, 8 : i32
      "tpu.region"() ({
        %run_scoped3A = tpu.sem_alloc : memref<!tpu.dma_semaphore, #tpu.memory_space<semaphore_mem>>
        %dma_start3A = arith.constant 0 : i32
        %dma_start3A_39 = tpu.memref_slice %arg6[%multiple_of3A_32, %dma_start3A] : memref<2560x128xi32, #tpu.memory_space<hbm>> -> memref<16x128xi32, #tpu.memory_space<hbm>>
        %dma_start3A_40 = arith.constant 0 : i32
        %dma_start3A_41 = tpu.memref_slice %arg6[%multiple_of3A_32, %dma_start3A_40] : memref<2560x128xi32, #tpu.memory_space<hbm>> -> memref<16x128xi32, #tpu.memory_space<hbm>>
        tpu.enqueue_dma source(%dma_start3A_41 : memref<16x128xi32, #tpu.memory_space<hbm>>) target(%arg12 : memref<16x128xi32, #tpu.memory_space<vmem>>) target_semaphore(%run_scoped3A : memref<!tpu.dma_semaphore, #tpu.memory_space<semaphore_mem>>)
        %dma_wait3A = arith.constant 0 : i32
        %dma_wait3A_42 = tpu.memref_slice %arg6[%multiple_of3A_32, %dma_wait3A] : memref<2560x128xi32, #tpu.memory_space<hbm>> -> memref<16x128xi32, #tpu.memory_space<hbm>>
        %dma_wait3A_43 = arith.constant 0 : i32
        %dma_wait3A_44 = tpu.memref_slice %arg6[%multiple_of3A_32, %dma_wait3A_43] : memref<2560x128xi32, #tpu.memory_space<hbm>> -> memref<16x128xi32, #tpu.memory_space<hbm>>
        tpu.wait_dma2 semaphore(%run_scoped3A : memref<!tpu.dma_semaphore, #tpu.memory_space<semaphore_mem>>) src(%dma_wait3A_44 : memref<16x128xi32, #tpu.memory_space<hbm>>) dst(%arg12 : memref<16x128xi32, #tpu.memory_space<vmem>>)
        tpu.yield
      }) : () -> ()
      "tpu.region"() ({
        %run_scoped3A = tpu.sem_alloc : memref<!tpu.dma_semaphore, #tpu.memory_space<semaphore_mem>>
        %dma_start3A = arith.constant 0 : i32
        %dma_start3A_39 = tpu.memref_slice %arg7[%multiple_of3A_32, %dma_start3A] : memref<2560x128xi32, #tpu.memory_space<hbm>> -> memref<16x128xi32, #tpu.memory_space<hbm>>
        %dma_start3A_40 = arith.constant 0 : i32
        %dma_start3A_41 = tpu.memref_slice %arg7[%multiple_of3A_32, %dma_start3A_40] : memref<2560x128xi32, #tpu.memory_space<hbm>> -> memref<16x128xi32, #tpu.memory_space<hbm>>
        tpu.enqueue_dma source(%dma_start3A_41 : memref<16x128xi32, #tpu.memory_space<hbm>>) target(%arg13 : memref<16x128xi32, #tpu.memory_space<vmem>>) target_semaphore(%run_scoped3A : memref<!tpu.dma_semaphore, #tpu.memory_space<semaphore_mem>>)
        %dma_wait3A = arith.constant 0 : i32
        %dma_wait3A_42 = tpu.memref_slice %arg7[%multiple_of3A_32, %dma_wait3A] : memref<2560x128xi32, #tpu.memory_space<hbm>> -> memref<16x128xi32, #tpu.memory_space<hbm>>
        %dma_wait3A_43 = arith.constant 0 : i32
        %dma_wait3A_44 = tpu.memref_slice %arg7[%multiple_of3A_32, %dma_wait3A_43] : memref<2560x128xi32, #tpu.memory_space<hbm>> -> memref<16x128xi32, #tpu.memory_space<hbm>>
        tpu.wait_dma2 semaphore(%run_scoped3A : memref<!tpu.dma_semaphore, #tpu.memory_space<semaphore_mem>>) src(%dma_wait3A_44 : memref<16x128xi32, #tpu.memory_space<hbm>>) dst(%arg13 : memref<16x128xi32, #tpu.memory_space<vmem>>)
        tpu.yield
      }) : () -> ()
      %scan3A_33 = arith.constant 0 : i32
      %scan3A_34 = arith.constant 0 : i32
      %scan3A_35 = arith.constant 16 : i32
      %scan3A_36 = arith.addi %scan3A_34, %scan3A_35 : i32
      %scan3A_37 = arith.constant 1 : i32
      scf.for %scan3A_39 = %scan3A_34 to %scan3A_36 step %scan3A_37  : i32 {
        %add3A_40 = arith.addi %multiple_of3A_32, %scan3A_39 : i32
        %mul3A_41 = arith.constant 128 : i32
        %mul3A_42 = arith.muli %add3A_40, %mul3A_41 : i32
        %multiple_of3A_43 = tpu.assume_multiple %mul3A_42, 8 : i32
        %dma_start3A = arith.constant 0 : i32
        %dma_start3A_44 = tpu.memref_slice %arg12[%scan3A_39, %dma_start3A] : memref<16x128xi32, #tpu.memory_space<vmem>> -> memref<1x128xi32, #tpu.memory_space<vmem>>
        %dma_start3A_45 = tpu.memref_squeeze %dma_start3A_44 : memref<1x128xi32, #tpu.memory_space<vmem>> -> memref<128xi32, #tpu.memory_space<vmem>>
        %dma_start3A_46 = arith.constant 0 : i32
        %dma_start3A_47 = arith.constant 0 : i32
        %dma_start3A_48 = tpu.memref_slice %arg2[%dma_start3A_46, %dma_start3A_47] : memref<10000x128xf32, #tpu.memory_space<hbm>> -> memref<10000x128xf32, #tpu.memory_space<hbm>>
        tpu.enqueue_indirect_dma source(%dma_start3A_48 : memref<10000x128xf32, #tpu.memory_space<hbm>>) target(%arg14 : memref<128x128xf32, #tpu.memory_space<vmem>>) offsets(%dma_start3A_45 : memref<128xi32, #tpu.memory_space<vmem>>) semaphore(%arg17 : memref<!tpu.dma_semaphore, #tpu.memory_space<semaphore_mem>>)
        %dma_start3A_49 = arith.constant 0 : i32
        %dma_start3A_50 = tpu.memref_slice %arg5[%multiple_of3A_43, %dma_start3A_49] : memref<327680x384xf32, #tpu.memory_space<hbm>> -> memref<128x128xf32, #tpu.memory_space<hbm>>
        %dma_start3A_51 = arith.constant 0 : i32
        %dma_start3A_52 = tpu.memref_slice %arg5[%multiple_of3A_43, %dma_start3A_51] : memref<327680x384xf32, #tpu.memory_space<hbm>> -> memref<128x128xf32, #tpu.memory_space<hbm>>
        tpu.enqueue_dma source(%dma_start3A_52 : memref<128x128xf32, #tpu.memory_space<hbm>>) target(%arg15 : memref<128x128xf32, #tpu.memory_space<vmem>>) target_semaphore(%arg18 : memref<!tpu.dma_semaphore, #tpu.memory_space<semaphore_mem>>)
        %dma_wait3A = arith.constant 0 : i32
        %dma_wait3A_53 = tpu.memref_slice %arg12[%scan3A_39, %dma_wait3A] : memref<16x128xi32, #tpu.memory_space<vmem>> -> memref<1x128xi32, #tpu.memory_space<vmem>>
        %dma_wait3A_54 = tpu.memref_squeeze %dma_wait3A_53 : memref<1x128xi32, #tpu.memory_space<vmem>> -> memref<128xi32, #tpu.memory_space<vmem>>
        %dma_wait3A_55 = arith.constant 0 : i32
        %dma_wait3A_56 = arith.constant 0 : i32
        %dma_wait3A_57 = tpu.memref_slice %arg2[%dma_wait3A_55, %dma_wait3A_56] : memref<10000x128xf32, #tpu.memory_space<hbm>> -> memref<10000x128xf32, #tpu.memory_space<hbm>>
        tpu.wait_indirect_dma semaphore(%arg17 : memref<!tpu.dma_semaphore, #tpu.memory_space<semaphore_mem>>) src(%dma_wait3A_57 : memref<10000x128xf32, #tpu.memory_space<hbm>>) dst(%arg14 : memref<128x128xf32, #tpu.memory_space<vmem>>)
        %dma_wait3A_58 = arith.constant 0 : i32
        %dma_wait3A_59 = tpu.memref_slice %arg5[%multiple_of3A_43, %dma_wait3A_58] : memref<327680x384xf32, #tpu.memory_space<hbm>> -> memref<128x128xf32, #tpu.memory_space<hbm>>
        %dma_wait3A_60 = arith.constant 0 : i32
        %dma_wait3A_61 = tpu.memref_slice %arg5[%multiple_of3A_43, %dma_wait3A_60] : memref<327680x384xf32, #tpu.memory_space<hbm>> -> memref<128x128xf32, #tpu.memory_space<hbm>>
        tpu.wait_dma2 semaphore(%arg18 : memref<!tpu.dma_semaphore, #tpu.memory_space<semaphore_mem>>) src(%dma_wait3A_61 : memref<128x128xf32, #tpu.memory_space<hbm>>) dst(%arg15 : memref<128x128xf32, #tpu.memory_space<vmem>>)
        %scan3A_62 = arith.constant 0 : i32
        %scan3A_63 = arith.constant 0 : i32
        %scan3A_64 = arith.constant 64 : i32
        %scan3A_65 = arith.addi %scan3A_63, %scan3A_64 : i32
        %scan3A_66 = arith.constant 1 : i32
        scf.for %scan3A_68 = %scan3A_63 to %scan3A_65 step %scan3A_66  : i32 {
          %mul3A_69 = arith.constant 2 : i32
          %mul3A_70 = arith.muli %mul3A_69, %scan3A_68 : i32
          %add3A_71 = arith.constant 0 : i32
          %add3A_72 = arith.addi %mul3A_70, %add3A_71 : i32
          %get3A = arith.index_cast %add3A_72 : i32 to index
          %get3A_73 = arith.constant 0 : index
          %get3A_74 = tpu.vector_load %arg14[%get3A, %get3A_73] {strides = array<i32>} : memref<128x128xf32, #tpu.memory_space<vmem>>, vector<1x16xf32>,
          %get3A_75 = vector.shape_cast %get3A_74 : vector<1x16xf32> to vector<16xf32>
          %get3A_76 = arith.index_cast %add3A_72 : i32 to index
          %get3A_77 = arith.constant 0 : index
          %get3A_78 = tpu.vector_load %arg15[%get3A_76, %get3A_77] {strides = array<i32>} : memref<128x128xf32, #tpu.memory_space<vmem>>, vector<1x16xf32>,
          %get3A_79 = vector.shape_cast %get3A_78 : vector<1x16xf32> to vector<16xf32>
          %add3A_80 = arith.addf %get3A_75, %get3A_79 : vector<16xf32>
          %max3A = arith.constant 0.000000e+00 : f32
          %max3A_81 = vector.broadcast %max3A : f32 to vector<16xf32>
          %max3A_82 = arith.maximumf %add3A_80, %max3A_81 : vector<16xf32>
          %swap3A = arith.index_cast %add3A_72 : i32 to index
          %swap3A_83 = arith.constant 0 : index
          %swap3A_84 = tpu.vector_load %arg14[%swap3A, %swap3A_83] {strides = array<i32>} : memref<128x128xf32, #tpu.memory_space<vmem>>, vector<1x16xf32>,
          %swap3A_85 = vector.shape_cast %swap3A_84 : vector<1x16xf32> to vector<16xf32>
          %swap3A_86 = vector.shape_cast %max3A_82 : vector<16xf32> to vector<1x16xf32>
          tpu.vector_store %arg14[%swap3A, %swap3A_83], %swap3A_86 {strides = array<i32>} : memref<128x128xf32, #tpu.memory_space<vmem>>, vector<1x16xf32>,
          %get3A_87 = arith.index_cast %add3A_72 : i32 to index
          %get3A_88 = arith.constant 16 : index
          %get3A_89 = tpu.vector_load %arg14[%get3A_87, %get3A_88] {strides = array<i32>} : memref<128x128xf32, #tpu.memory_space<vmem>>, vector<1x16xf32>,
          %get3A_90 = vector.shape_cast %get3A_89 : vector<1x16xf32> to vector<16xf32>
          %get3A_91 = arith.index_cast %add3A_72 : i32 to index
          %get3A_92 = arith.constant 16 : index
          %get3A_93 = tpu.vector_load %arg15[%get3A_91, %get3A_92] {strides = array<i32>} : memref<128x128xf32, #tpu.memory_space<vmem>>, vector<1x16xf32>,
          %get3A_94 = vector.shape_cast %get3A_93 : vector<1x16xf32> to vector<16xf32>
          %add3A_95 = arith.addf %get3A_90, %get3A_94 : vector<16xf32>
          %max3A_96 = arith.constant 0.000000e+00 : f32
          %max3A_97 = vector.broadcast %max3A_96 : f32 to vector<16xf32>
          %max3A_98 = arith.maximumf %add3A_95, %max3A_97 : vector<16xf32>
          %swap3A_99 = arith.index_cast %add3A_72 : i32 to index
          %swap3A_100 = arith.constant 16 : index
          %swap3A_101 = tpu.vector_load %arg14[%swap3A_99, %swap3A_100] {strides = array<i32>} : memref<128x128xf32, #tpu.memory_space<vmem>>, vector<1x16xf32>,
          %swap3A_102 = vector.shape_cast %swap3A_101 : vector<1x16xf32> to vector<16xf32>
          %swap3A_103 = vector.shape_cast %max3A_98 : vector<16xf32> to vector<1x16xf32>
          tpu.vector_store %arg14[%swap3A_99, %swap3A_100], %swap3A_103 {strides = array<i32>} : memref<128x128xf32, #tpu.memory_space<vmem>>, vector<1x16xf32>,
          %get3A_104 = arith.index_cast %add3A_72 : i32 to index
          %get3A_105 = arith.constant 32 : index
          %get3A_106 = tpu.vector_load %arg14[%get3A_104, %get3A_105] {strides = array<i32>} : memref<128x128xf32, #tpu.memory_space<vmem>>, vector<1x16xf32>,
          %get3A_107 = vector.shape_cast %get3A_106 : vector<1x16xf32> to vector<16xf32>
          %get3A_108 = arith.index_cast %add3A_72 : i32 to index
          %get3A_109 = arith.constant 32 : index
          %get3A_110 = tpu.vector_load %arg15[%get3A_108, %get3A_109] {strides = array<i32>} : memref<128x128xf32, #tpu.memory_space<vmem>>, vector<1x16xf32>,
          %get3A_111 = vector.shape_cast %get3A_110 : vector<1x16xf32> to vector<16xf32>
          %add3A_112 = arith.addf %get3A_107, %get3A_111 : vector<16xf32>
          %max3A_113 = arith.constant 0.000000e+00 : f32
          %max3A_114 = vector.broadcast %max3A_113 : f32 to vector<16xf32>
          %max3A_115 = arith.maximumf %add3A_112, %max3A_114 : vector<16xf32>
          %swap3A_116 = arith.index_cast %add3A_72 : i32 to index
          %swap3A_117 = arith.constant 32 : index
          %swap3A_118 = tpu.vector_load %arg14[%swap3A_116, %swap3A_117] {strides = array<i32>} : memref<128x128xf32, #tpu.memory_space<vmem>>, vector<1x16xf32>,
          %swap3A_119 = vector.shape_cast %swap3A_118 : vector<1x16xf32> to vector<16xf32>
          %swap3A_120 = vector.shape_cast %max3A_115 : vector<16xf32> to vector<1x16xf32>
          tpu.vector_store %arg14[%swap3A_116, %swap3A_117], %swap3A_120 {strides = array<i32>} : memref<128x128xf32, #tpu.memory_space<vmem>>, vector<1x16xf32>,
          %get3A_121 = arith.index_cast %add3A_72 : i32 to index
          %get3A_122 = arith.constant 48 : index
          %get3A_123 = tpu.vector_load %arg14[%get3A_121, %get3A_122] {strides = array<i32>} : memref<128x128xf32, #tpu.memory_space<vmem>>, vector<1x16xf32>,
          %get3A_124 = vector.shape_cast %get3A_123 : vector<1x16xf32> to vector<16xf32>
          %get3A_125 = arith.index_cast %add3A_72 : i32 to index
          %get3A_126 = arith.constant 48 : index
          %get3A_127 = tpu.vector_load %arg15[%get3A_125, %get3A_126] {strides = array<i32>} : memref<128x128xf32, #tpu.memory_space<vmem>>, vector<1x16xf32>,
          %get3A_128 = vector.shape_cast %get3A_127 : vector<1x16xf32> to vector<16xf32>
          %add3A_129 = arith.addf %get3A_124, %get3A_128 : vector<16xf32>
          %max3A_130 = arith.constant 0.000000e+00 : f32
          %max3A_131 = vector.broadcast %max3A_130 : f32 to vector<16xf32>
          %max3A_132 = arith.maximumf %add3A_129, %max3A_131 : vector<16xf32>
          %swap3A_133 = arith.index_cast %add3A_72 : i32 to index
          %swap3A_134 = arith.constant 48 : index
          %swap3A_135 = tpu.vector_load %arg14[%swap3A_133, %swap3A_134] {strides = array<i32>} : memref<128x128xf32, #tpu.memory_space<vmem>>, vector<1x16xf32>,
          %swap3A_136 = vector.shape_cast %swap3A_135 : vector<1x16xf32> to vector<16xf32>
          %swap3A_137 = vector.shape_cast %max3A_132 : vector<16xf32> to vector<1x16xf32>
          tpu.vector_store %arg14[%swap3A_133, %swap3A_134], %swap3A_137 {strides = array<i32>} : memref<128x128xf32, #tpu.memory_space<vmem>>, vector<1x16xf32>,
          %get3A_138 = arith.index_cast %add3A_72 : i32 to index
          %get3A_139 = arith.constant 64 : index
          %get3A_140 = tpu.vector_load %arg14[%get3A_138, %get3A_139] {strides = array<i32>} : memref<128x128xf32, #tpu.memory_space<vmem>>, vector<1x16xf32>,
          %get3A_141 = vector.shape_cast %get3A_140 : vector<1x16xf32> to vector<16xf32>
          %get3A_142 = arith.index_cast %add3A_72 : i32 to index
          %get3A_143 = arith.constant 64 : index
          %get3A_144 = tpu.vector_load %arg15[%get3A_142, %get3A_143] {strides = array<i32>} : memref<128x128xf32, #tpu.memory_space<vmem>>, vector<1x16xf32>,
          %get3A_145 = vector.shape_cast %get3A_144 : vector<1x16xf32> to vector<16xf32>
          %add3A_146 = arith.addf %get3A_141, %get3A_145 : vector<16xf32>
          %max3A_147 = arith.constant 0.000000e+00 : f32
          %max3A_148 = vector.broadcast %max3A_147 : f32 to vector<16xf32>
          %max3A_149 = arith.maximumf %add3A_146, %max3A_148 : vector<16xf32>
          %swap3A_150 = arith.index_cast %add3A_72 : i32 to index
          %swap3A_151 = arith.constant 64 : index
          %swap3A_152 = tpu.vector_load %arg14[%swap3A_150, %swap3A_151] {strides = array<i32>} : memref<128x128xf32, #tpu.memory_space<vmem>>, vector<1x16xf32>,
          %swap3A_153 = vector.shape_cast %swap3A_152 : vector<1x16xf32> to vector<16xf32>
          %swap3A_154 = vector.shape_cast %max3A_149 : vector<16xf32> to vector<1x16xf32>
          tpu.vector_store %arg14[%swap3A_150, %swap3A_151], %swap3A_154 {strides = array<i32>} : memref<128x128xf32, #tpu.memory_space<vmem>>, vector<1x16xf32>,
          %get3A_155 = arith.index_cast %add3A_72 : i32 to index
          %get3A_156 = arith.constant 80 : index
          %get3A_157 = tpu.vector_load %arg14[%get3A_155, %get3A_156] {strides = array<i32>} : memref<128x128xf32, #tpu.memory_space<vmem>>, vector<1x16xf32>,
          %get3A_158 = vector.shape_cast %get3A_157 : vector<1x16xf32> to vector<16xf32>
          %get3A_159 = arith.index_cast %add3A_72 : i32 to index
          %get3A_160 = arith.constant 80 : index
          %get3A_161 = tpu.vector_load %arg15[%get3A_159, %get3A_160] {strides = array<i32>} : memref<128x128xf32, #tpu.memory_space<vmem>>, vector<1x16xf32>,
          %get3A_162 = vector.shape_cast %get3A_161 : vector<1x16xf32> to vector<16xf32>
          %add3A_163 = arith.addf %get3A_158, %get3A_162 : vector<16xf32>
          %max3A_164 = arith.constant 0.000000e+00 : f32
          %max3A_165 = vector.broadcast %max3A_164 : f32 to vector<16xf32>
          %max3A_166 = arith.maximumf %add3A_163, %max3A_165 : vector<16xf32>
          %swap3A_167 = arith.index_cast %add3A_72 : i32 to index
          %swap3A_168 = arith.constant 80 : index
          %swap3A_169 = tpu.vector_load %arg14[%swap3A_167, %swap3A_168] {strides = array<i32>} : memref<128x128xf32, #tpu.memory_space<vmem>>, vector<1x16xf32>,
          %swap3A_170 = vector.shape_cast %swap3A_169 : vector<1x16xf32> to vector<16xf32>
          %swap3A_171 = vector.shape_cast %max3A_166 : vector<16xf32> to vector<1x16xf32>
          tpu.vector_store %arg14[%swap3A_167, %swap3A_168], %swap3A_171 {strides = array<i32>} : memref<128x128xf32, #tpu.memory_space<vmem>>, vector<1x16xf32>,
          %get3A_172 = arith.index_cast %add3A_72 : i32 to index
          %get3A_173 = arith.constant 96 : index
          %get3A_174 = tpu.vector_load %arg14[%get3A_172, %get3A_173] {strides = array<i32>} : memref<128x128xf32, #tpu.memory_space<vmem>>, vector<1x16xf32>,
          %get3A_175 = vector.shape_cast %get3A_174 : vector<1x16xf32> to vector<16xf32>
          %get3A_176 = arith.index_cast %add3A_72 : i32 to index
          %get3A_177 = arith.constant 96 : index
          %get3A_178 = tpu.vector_load %arg15[%get3A_176, %get3A_177] {strides = array<i32>} : memref<128x128xf32, #tpu.memory_space<vmem>>, vector<1x16xf32>,
          %get3A_179 = vector.shape_cast %get3A_178 : vector<1x16xf32> to vector<16xf32>
          %add3A_180 = arith.addf %get3A_175, %get3A_179 : vector<16xf32>
          %max3A_181 = arith.constant 0.000000e+00 : f32
          %max3A_182 = vector.broadcast %max3A_181 : f32 to vector<16xf32>
          %max3A_183 = arith.maximumf %add3A_180, %max3A_182 : vector<16xf32>
          %swap3A_184 = arith.index_cast %add3A_72 : i32 to index
          %swap3A_185 = arith.constant 96 : index
          %swap3A_186 = tpu.vector_load %arg14[%swap3A_184, %swap3A_185] {strides = array<i32>} : memref<128x128xf32, #tpu.memory_space<vmem>>, vector<1x16xf32>,
          %swap3A_187 = vector.shape_cast %swap3A_186 : vector<1x16xf32> to vector<16xf32>
          %swap3A_188 = vector.shape_cast %max3A_183 : vector<16xf32> to vector<1x16xf32>
          tpu.vector_store %arg14[%swap3A_184, %swap3A_185], %swap3A_188 {strides = array<i32>} : memref<128x128xf32, #tpu.memory_space<vmem>>, vector<1x16xf32>,
          %get3A_189 = arith.index_cast %add3A_72 : i32 to index
          %get3A_190 = arith.constant 112 : index
          %get3A_191 = tpu.vector_load %arg14[%get3A_189, %get3A_190] {strides = array<i32>} : memref<128x128xf32, #tpu.memory_space<vmem>>, vector<1x16xf32>,
          %get3A_192 = vector.shape_cast %get3A_191 : vector<1x16xf32> to vector<16xf32>
          %get3A_193 = arith.index_cast %add3A_72 : i32 to index
          %get3A_194 = arith.constant 112 : index
          %get3A_195 = tpu.vector_load %arg15[%get3A_193, %get3A_194] {strides = array<i32>} : memref<128x128xf32, #tpu.memory_space<vmem>>, vector<1x16xf32>,
          %get3A_196 = vector.shape_cast %get3A_195 : vector<1x16xf32> to vector<16xf32>
          %add3A_197 = arith.addf %get3A_192, %get3A_196 : vector<16xf32>
          %max3A_198 = arith.constant 0.000000e+00 : f32
          %max3A_199 = vector.broadcast %max3A_198 : f32 to vector<16xf32>
          %max3A_200 = arith.maximumf %add3A_197, %max3A_199 : vector<16xf32>
          %swap3A_201 = arith.index_cast %add3A_72 : i32 to index
          %swap3A_202 = arith.constant 112 : index
          %swap3A_203 = tpu.vector_load %arg14[%swap3A_201, %swap3A_202] {strides = array<i32>} : memref<128x128xf32, #tpu.memory_space<vmem>>, vector<1x16xf32>,
          %swap3A_204 = vector.shape_cast %swap3A_203 : vector<1x16xf32> to vector<16xf32>
          %swap3A_205 = vector.shape_cast %max3A_200 : vector<16xf32> to vector<1x16xf32>
          tpu.vector_store %arg14[%swap3A_201, %swap3A_202], %swap3A_205 {strides = array<i32>} : memref<128x128xf32, #tpu.memory_space<vmem>>, vector<1x16xf32>,
          %mul3A_206 = arith.constant 2 : i32
          %mul3A_207 = arith.muli %mul3A_206, %scan3A_68 : i32
          %add3A_208 = arith.constant 1 : i32
          %add3A_209 = arith.addi %mul3A_207, %add3A_208 : i32
          %get3A_210 = arith.index_cast %add3A_209 : i32 to index
          %get3A_211 = arith.constant 0 : index
          %get3A_212 = tpu.vector_load %arg14[%get3A_210, %get3A_211] {strides = array<i32>} : memref<128x128xf32, #tpu.memory_space<vmem>>, vector<1x16xf32>,
          %get3A_213 = vector.shape_cast %get3A_212 : vector<1x16xf32> to vector<16xf32>
          %get3A_214 = arith.index_cast %add3A_209 : i32 to index
          %get3A_215 = arith.constant 0 : index
          %get3A_216 = tpu.vector_load %arg15[%get3A_214, %get3A_215] {strides = array<i32>} : memref<128x128xf32, #tpu.memory_space<vmem>>, vector<1x16xf32>,
          %get3A_217 = vector.shape_cast %get3A_216 : vector<1x16xf32> to vector<16xf32>
          %add3A_218 = arith.addf %get3A_213, %get3A_217 : vector<16xf32>
          %max3A_219 = arith.constant 0.000000e+00 : f32
          %max3A_220 = vector.broadcast %max3A_219 : f32 to vector<16xf32>
          %max3A_221 = arith.maximumf %add3A_218, %max3A_220 : vector<16xf32>
          %swap3A_222 = arith.index_cast %add3A_209 : i32 to index
          %swap3A_223 = arith.constant 0 : index
          %swap3A_224 = tpu.vector_load %arg14[%swap3A_222, %swap3A_223] {strides = array<i32>} : memref<128x128xf32, #tpu.memory_space<vmem>>, vector<1x16xf32>,
          %swap3A_225 = vector.shape_cast %swap3A_224 : vector<1x16xf32> to vector<16xf32>
          %swap3A_226 = vector.shape_cast %max3A_221 : vector<16xf32> to vector<1x16xf32>
          tpu.vector_store %arg14[%swap3A_222, %swap3A_223], %swap3A_226 {strides = array<i32>} : memref<128x128xf32, #tpu.memory_space<vmem>>, vector<1x16xf32>,
          %get3A_227 = arith.index_cast %add3A_209 : i32 to index
          %get3A_228 = arith.constant 16 : index
          %get3A_229 = tpu.vector_load %arg14[%get3A_227, %get3A_228] {strides = array<i32>} : memref<128x128xf32, #tpu.memory_space<vmem>>, vector<1x16xf32>,
          %get3A_230 = vector.shape_cast %get3A_229 : vector<1x16xf32> to vector<16xf32>
          %get3A_231 = arith.index_cast %add3A_209 : i32 to index
          %get3A_232 = arith.constant 16 : index
          %get3A_233 = tpu.vector_load %arg15[%get3A_231, %get3A_232] {strides = array<i32>} : memref<128x128xf32, #tpu.memory_space<vmem>>, vector<1x16xf32>,
          %get3A_234 = vector.shape_cast %get3A_233 : vector<1x16xf32> to vector<16xf32>
          %add3A_235 = arith.addf %get3A_230, %get3A_234 : vector<16xf32>
          %max3A_236 = arith.constant 0.000000e+00 : f32
          %max3A_237 = vector.broadcast %max3A_236 : f32 to vector<16xf32>
          %max3A_238 = arith.maximumf %add3A_235, %max3A_237 : vector<16xf32>
          %swap3A_239 = arith.index_cast %add3A_209 : i32 to index
          %swap3A_240 = arith.constant 16 : index
          %swap3A_241 = tpu.vector_load %arg14[%swap3A_239, %swap3A_240] {strides = array<i32>} : memref<128x128xf32, #tpu.memory_space<vmem>>, vector<1x16xf32>,
          %swap3A_242 = vector.shape_cast %swap3A_241 : vector<1x16xf32> to vector<16xf32>
          %swap3A_243 = vector.shape_cast %max3A_238 : vector<16xf32> to vector<1x16xf32>
          tpu.vector_store %arg14[%swap3A_239, %swap3A_240], %swap3A_243 {strides = array<i32>} : memref<128x128xf32, #tpu.memory_space<vmem>>, vector<1x16xf32>,
          %get3A_244 = arith.index_cast %add3A_209 : i32 to index
          %get3A_245 = arith.constant 32 : index
          %get3A_246 = tpu.vector_load %arg14[%get3A_244, %get3A_245] {strides = array<i32>} : memref<128x128xf32, #tpu.memory_space<vmem>>, vector<1x16xf32>,
          %get3A_247 = vector.shape_cast %get3A_246 : vector<1x16xf32> to vector<16xf32>
          %get3A_248 = arith.index_cast %add3A_209 : i32 to index
          %get3A_249 = arith.constant 32 : index
          %get3A_250 = tpu.vector_load %arg15[%get3A_248, %get3A_249] {strides = array<i32>} : memref<128x128xf32, #tpu.memory_space<vmem>>, vector<1x16xf32>,
          %get3A_251 = vector.shape_cast %get3A_250 : vector<1x16xf32> to vector<16xf32>
          %add3A_252 = arith.addf %get3A_247, %get3A_251 : vector<16xf32>
          %max3A_253 = arith.constant 0.000000e+00 : f32
          %max3A_254 = vector.broadcast %max3A_253 : f32 to vector<16xf32>
          %max3A_255 = arith.maximumf %add3A_252, %max3A_254 : vector<16xf32>
          %swap3A_256 = arith.index_cast %add3A_209 : i32 to index
          %swap3A_257 = arith.constant 32 : index
          %swap3A_258 = tpu.vector_load %arg14[%swap3A_256, %swap3A_257] {strides = array<i32>} : memref<128x128xf32, #tpu.memory_space<vmem>>, vector<1x16xf32>,
          %swap3A_259 = vector.shape_cast %swap3A_258 : vector<1x16xf32> to vector<16xf32>
          %swap3A_260 = vector.shape_cast %max3A_255 : vector<16xf32> to vector<1x16xf32>
          tpu.vector_store %arg14[%swap3A_256, %swap3A_257], %swap3A_260 {strides = array<i32>} : memref<128x128xf32, #tpu.memory_space<vmem>>, vector<1x16xf32>,
          %get3A_261 = arith.index_cast %add3A_209 : i32 to index
          %get3A_262 = arith.constant 48 : index
          %get3A_263 = tpu.vector_load %arg14[%get3A_261, %get3A_262] {strides = array<i32>} : memref<128x128xf32, #tpu.memory_space<vmem>>, vector<1x16xf32>,
          %get3A_264 = vector.shape_cast %get3A_263 : vector<1x16xf32> to vector<16xf32>
          %get3A_265 = arith.index_cast %add3A_209 : i32 to index
          %get3A_266 = arith.constant 48 : index
          %get3A_267 = tpu.vector_load %arg15[%get3A_265, %get3A_266] {strides = array<i32>} : memref<128x128xf32, #tpu.memory_space<vmem>>, vector<1x16xf32>,
          %get3A_268 = vector.shape_cast %get3A_267 : vector<1x16xf32> to vector<16xf32>
          %add3A_269 = arith.addf %get3A_264, %get3A_268 : vector<16xf32>
          %max3A_270 = arith.constant 0.000000e+00 : f32
          %max3A_271 = vector.broadcast %max3A_270 : f32 to vector<16xf32>
          %max3A_272 = arith.maximumf %add3A_269, %max3A_271 : vector<16xf32>
          %swap3A_273 = arith.index_cast %add3A_209 : i32 to index
          %swap3A_274 = arith.constant 48 : index
          %swap3A_275 = tpu.vector_load %arg14[%swap3A_273, %swap3A_274] {strides = array<i32>} : memref<128x128xf32, #tpu.memory_space<vmem>>, vector<1x16xf32>,
          %swap3A_276 = vector.shape_cast %swap3A_275 : vector<1x16xf32> to vector<16xf32>
          %swap3A_277 = vector.shape_cast %max3A_272 : vector<16xf32> to vector<1x16xf32>
          tpu.vector_store %arg14[%swap3A_273, %swap3A_274], %swap3A_277 {strides = array<i32>} : memref<128x128xf32, #tpu.memory_space<vmem>>, vector<1x16xf32>,
          %get3A_278 = arith.index_cast %add3A_209 : i32 to index
          %get3A_279 = arith.constant 64 : index
          %get3A_280 = tpu.vector_load %arg14[%get3A_278, %get3A_279] {strides = array<i32>} : memref<128x128xf32, #tpu.memory_space<vmem>>, vector<1x16xf32>,
          %get3A_281 = vector.shape_cast %get3A_280 : vector<1x16xf32> to vector<16xf32>
          %get3A_282 = arith.index_cast %add3A_209 : i32 to index
          %get3A_283 = arith.constant 64 : index
          %get3A_284 = tpu.vector_load %arg15[%get3A_282, %get3A_283] {strides = array<i32>} : memref<128x128xf32, #tpu.memory_space<vmem>>, vector<1x16xf32>,
          %get3A_285 = vector.shape_cast %get3A_284 : vector<1x16xf32> to vector<16xf32>
          %add3A_286 = arith.addf %get3A_281, %get3A_285 : vector<16xf32>
          %max3A_287 = arith.constant 0.000000e+00 : f32
          %max3A_288 = vector.broadcast %max3A_287 : f32 to vector<16xf32>
          %max3A_289 = arith.maximumf %add3A_286, %max3A_288 : vector<16xf32>
          %swap3A_290 = arith.index_cast %add3A_209 : i32 to index
          %swap3A_291 = arith.constant 64 : index
          %swap3A_292 = tpu.vector_load %arg14[%swap3A_290, %swap3A_291] {strides = array<i32>} : memref<128x128xf32, #tpu.memory_space<vmem>>, vector<1x16xf32>,
          %swap3A_293 = vector.shape_cast %swap3A_292 : vector<1x16xf32> to vector<16xf32>
          %swap3A_294 = vector.shape_cast %max3A_289 : vector<16xf32> to vector<1x16xf32>
          tpu.vector_store %arg14[%swap3A_290, %swap3A_291], %swap3A_294 {strides = array<i32>} : memref<128x128xf32, #tpu.memory_space<vmem>>, vector<1x16xf32>,
          %get3A_295 = arith.index_cast %add3A_209 : i32 to index
          %get3A_296 = arith.constant 80 : index
          %get3A_297 = tpu.vector_load %arg14[%get3A_295, %get3A_296] {strides = array<i32>} : memref<128x128xf32, #tpu.memory_space<vmem>>, vector<1x16xf32>,
          %get3A_298 = vector.shape_cast %get3A_297 : vector<1x16xf32> to vector<16xf32>
          %get3A_299 = arith.index_cast %add3A_209 : i32 to index
          %get3A_300 = arith.constant 80 : index
          %get3A_301 = tpu.vector_load %arg15[%get3A_299, %get3A_300] {strides = array<i32>} : memref<128x128xf32, #tpu.memory_space<vmem>>, vector<1x16xf32>,
          %get3A_302 = vector.shape_cast %get3A_301 : vector<1x16xf32> to vector<16xf32>
          %add3A_303 = arith.addf %get3A_298, %get3A_302 : vector<16xf32>
          %max3A_304 = arith.constant 0.000000e+00 : f32
          %max3A_305 = vector.broadcast %max3A_304 : f32 to vector<16xf32>
          %max3A_306 = arith.maximumf %add3A_303, %max3A_305 : vector<16xf32>
          %swap3A_307 = arith.index_cast %add3A_209 : i32 to index
          %swap3A_308 = arith.constant 80 : index
          %swap3A_309 = tpu.vector_load %arg14[%swap3A_307, %swap3A_308] {strides = array<i32>} : memref<128x128xf32, #tpu.memory_space<vmem>>, vector<1x16xf32>,
          %swap3A_310 = vector.shape_cast %swap3A_309 : vector<1x16xf32> to vector<16xf32>
          %swap3A_311 = vector.shape_cast %max3A_306 : vector<16xf32> to vector<1x16xf32>
          tpu.vector_store %arg14[%swap3A_307, %swap3A_308], %swap3A_311 {strides = array<i32>} : memref<128x128xf32, #tpu.memory_space<vmem>>, vector<1x16xf32>,
          %get3A_312 = arith.index_cast %add3A_209 : i32 to index
          %get3A_313 = arith.constant 96 : index
          %get3A_314 = tpu.vector_load %arg14[%get3A_312, %get3A_313] {strides = array<i32>} : memref<128x128xf32, #tpu.memory_space<vmem>>, vector<1x16xf32>,
          %get3A_315 = vector.shape_cast %get3A_314 : vector<1x16xf32> to vector<16xf32>
          %get3A_316 = arith.index_cast %add3A_209 : i32 to index
          %get3A_317 = arith.constant 96 : index
          %get3A_318 = tpu.vector_load %arg15[%get3A_316, %get3A_317] {strides = array<i32>} : memref<128x128xf32, #tpu.memory_space<vmem>>, vector<1x16xf32>,
          %get3A_319 = vector.shape_cast %get3A_318 : vector<1x16xf32> to vector<16xf32>
          %add3A_320 = arith.addf %get3A_315, %get3A_319 : vector<16xf32>
          %max3A_321 = arith.constant 0.000000e+00 : f32
          %max3A_322 = vector.broadcast %max3A_321 : f32 to vector<16xf32>
          %max3A_323 = arith.maximumf %add3A_320, %max3A_322 : vector<16xf32>
          %swap3A_324 = arith.index_cast %add3A_209 : i32 to index
          %swap3A_325 = arith.constant 96 : index
          %swap3A_326 = tpu.vector_load %arg14[%swap3A_324, %swap3A_325] {strides = array<i32>} : memref<128x128xf32, #tpu.memory_space<vmem>>, vector<1x16xf32>,
          %swap3A_327 = vector.shape_cast %swap3A_326 : vector<1x16xf32> to vector<16xf32>
          %swap3A_328 = vector.shape_cast %max3A_323 : vector<16xf32> to vector<1x16xf32>
          tpu.vector_store %arg14[%swap3A_324, %swap3A_325], %swap3A_328 {strides = array<i32>} : memref<128x128xf32, #tpu.memory_space<vmem>>, vector<1x16xf32>,
          %get3A_329 = arith.index_cast %add3A_209 : i32 to index
          %get3A_330 = arith.constant 112 : index
          %get3A_331 = tpu.vector_load %arg14[%get3A_329, %get3A_330] {strides = array<i32>} : memref<128x128xf32, #tpu.memory_space<vmem>>, vector<1x16xf32>,
          %get3A_332 = vector.shape_cast %get3A_331 : vector<1x16xf32> to vector<16xf32>
          %get3A_333 = arith.index_cast %add3A_209 : i32 to index
          %get3A_334 = arith.constant 112 : index
          %get3A_335 = tpu.vector_load %arg15[%get3A_333, %get3A_334] {strides = array<i32>} : memref<128x128xf32, #tpu.memory_space<vmem>>, vector<1x16xf32>,
          %get3A_336 = vector.shape_cast %get3A_335 : vector<1x16xf32> to vector<16xf32>
          %add3A_337 = arith.addf %get3A_332, %get3A_336 : vector<16xf32>
          %max3A_338 = arith.constant 0.000000e+00 : f32
          %max3A_339 = vector.broadcast %max3A_338 : f32 to vector<16xf32>
          %max3A_340 = arith.maximumf %add3A_337, %max3A_339 : vector<16xf32>
          %swap3A_341 = arith.index_cast %add3A_209 : i32 to index
          %swap3A_342 = arith.constant 112 : index
          %swap3A_343 = tpu.vector_load %arg14[%swap3A_341, %swap3A_342] {strides = array<i32>} : memref<128x128xf32, #tpu.memory_space<vmem>>, vector<1x16xf32>,
          %swap3A_344 = vector.shape_cast %swap3A_343 : vector<1x16xf32> to vector<16xf32>
          %swap3A_345 = vector.shape_cast %max3A_340 : vector<16xf32> to vector<1x16xf32>
          tpu.vector_store %arg14[%swap3A_341, %swap3A_342], %swap3A_345 {strides = array<i32>} : memref<128x128xf32, #tpu.memory_space<vmem>>, vector<1x16xf32>,
        }
        %scan3A_67 = arith.constant 64 : i32
        "tpu.region"() ({
          %run_scoped3A = tpu.sem_alloc : memref<!tpu.dma_semaphore, #tpu.memory_space<semaphore_mem>>
          %dma_start3A_68 = arith.constant 0 : i32
          %dma_start3A_69 = tpu.memref_slice %arg13[%scan3A_39, %dma_start3A_68] : memref<16x128xi32, #tpu.memory_space<vmem>> -> memref<1x128xi32, #tpu.memory_space<vmem>>
          %dma_start3A_70 = tpu.memref_squeeze %dma_start3A_69 : memref<1x128xi32, #tpu.memory_space<vmem>> -> memref<128xi32, #tpu.memory_space<vmem>>
          %dma_start3A_71 = arith.constant 0 : i32
          %dma_start3A_72 = arith.constant 0 : i32
          %dma_start3A_73 = tpu.memref_slice %arg16[%dma_start3A_71, %dma_start3A_72] : memref<10240x128xf32, #tpu.memory_space<vmem_shared>> -> memref<10240x128xf32, #tpu.memory_space<vmem_shared>>
          tpu.enqueue_indirect_dma source(%arg14 : memref<128x128xf32, #tpu.memory_space<vmem>>) target(%dma_start3A_73 : memref<10240x128xf32, #tpu.memory_space<vmem_shared>>) offsets(%dma_start3A_70 : memref<128xi32, #tpu.memory_space<vmem>>) semaphore(%run_scoped3A : memref<!tpu.dma_semaphore, #tpu.memory_space<semaphore_mem>>) {add = true}
          %dma_wait3A_74 = arith.constant 0 : i32
          %dma_wait3A_75 = tpu.memref_slice %arg13[%scan3A_39, %dma_wait3A_74] : memref<16x128xi32, #tpu.memory_space<vmem>> -> memref<1x128xi32, #tpu.memory_space<vmem>>
          %dma_wait3A_76 = tpu.memref_squeeze %dma_wait3A_75 : memref<1x128xi32, #tpu.memory_space<vmem>> -> memref<128xi32, #tpu.memory_space<vmem>>
          %dma_wait3A_77 = arith.constant 0 : i32
          %dma_wait3A_78 = arith.constant 0 : i32
          %dma_wait3A_79 = tpu.memref_slice %arg16[%dma_wait3A_77, %dma_wait3A_78] : memref<10240x128xf32, #tpu.memory_space<vmem_shared>> -> memref<10240x128xf32, #tpu.memory_space<vmem_shared>>
          tpu.wait_indirect_dma semaphore(%run_scoped3A : memref<!tpu.dma_semaphore, #tpu.memory_space<semaphore_mem>>) src(%arg14 : memref<128x128xf32, #tpu.memory_space<vmem>>) dst(%dma_wait3A_79 : memref<10240x128xf32, #tpu.memory_space<vmem_shared>>)
          tpu.yield
        }) : () -> ()
      }
      %scan3A_38 = arith.constant 16 : i32
    }
    %scan3A_10 = arith.constant 5 : i32
    %barrier3A_11 = arith.constant 0 : index
    tpu.barrier barrier_id(%barrier3A_11)
    "tpu.region"() ({
      %run_scoped3A = tpu.sem_alloc : memref<!tpu.dma_semaphore, #tpu.memory_space<semaphore_mem>>
      %dma_start3A = arith.constant 0 : i32
      %dma_start3A_28 = tpu.memref_slice %arg9[%arg0, %multiple_of3A, %dma_start3A] : memref<2x10240x128xf32, #tpu.memory_space<hbm>> -> memref<1x640x128xf32, #tpu.memory_space<hbm>>
      %dma_start3A_29 = tpu.memref_squeeze %dma_start3A_28 : memref<1x640x128xf32, #tpu.memory_space<hbm>> -> memref<640x128xf32, #tpu.memory_space<hbm>>
      %dma_start3A_30 = arith.constant 0 : i32
      %dma_start3A_31 = tpu.memref_slice %arg16[%multiple_of3A, %dma_start3A_30] : memref<10240x128xf32, #tpu.memory_space<vmem_shared>> -> memref<640x128xf32, #tpu.memory_space<vmem_shared>>
      tpu.enqueue_dma source(%dma_start3A_31 : memref<640x128xf32, #tpu.memory_space<vmem_shared>>) target(%dma_start3A_29 : memref<640x128xf32, #tpu.memory_space<hbm>>) target_semaphore(%run_scoped3A : memref<!tpu.dma_semaphore, #tpu.memory_space<semaphore_mem>>)
      %dma_wait3A = arith.constant 0 : i32
      %dma_wait3A_32 = tpu.memref_slice %arg9[%arg0, %multiple_of3A, %dma_wait3A] : memref<2x10240x128xf32, #tpu.memory_space<hbm>> -> memref<1x640x128xf32, #tpu.memory_space<hbm>>
      %dma_wait3A_33 = tpu.memref_squeeze %dma_wait3A_32 : memref<1x640x128xf32, #tpu.memory_space<hbm>> -> memref<640x128xf32, #tpu.memory_space<hbm>>
      %dma_wait3A_34 = arith.constant 0 : i32
      %dma_wait3A_35 = tpu.memref_slice %arg16[%multiple_of3A, %dma_wait3A_34] : memref<10240x128xf32, #tpu.memory_space<vmem_shared>> -> memref<640x128xf32, #tpu.memory_space<vmem_shared>>
      tpu.wait_dma2 semaphore(%run_scoped3A : memref<!tpu.dma_semaphore, #tpu.memory_space<semaphore_mem>>) src(%dma_wait3A_35 : memref<640x128xf32, #tpu.memory_space<vmem_shared>>) dst(%dma_wait3A_33 : memref<640x128xf32, #tpu.memory_space<hbm>>)
      tpu.yield
    }) : () -> ()
    "tpu.region"() ({
      %run_scoped3A = tpu.sem_alloc : memref<!tpu.dma_semaphore, #tpu.memory_space<semaphore_mem>>
      %dma_start3A = arith.constant 0 : i32
      %dma_start3A_28 = tpu.memref_slice %arg16[%multiple_of3A, %dma_start3A] : memref<10240x128xf32, #tpu.memory_space<vmem_shared>> -> memref<640x128xf32, #tpu.memory_space<vmem_shared>>
      tpu.enqueue_dma source(%arg8 : memref<640x128xf32, #tpu.memory_space<hbm>>) target(%dma_start3A_28 : memref<640x128xf32, #tpu.memory_space<vmem_shared>>) target_semaphore(%run_scoped3A : memref<!tpu.dma_semaphore, #tpu.memory_space<semaphore_mem>>)
      %dma_wait3A = arith.constant 0 : i32
      %dma_wait3A_29 = tpu.memref_slice %arg16[%multiple_of3A, %dma_wait3A] : memref<10240x128xf32, #tpu.memory_space<vmem_shared>> -> memref<640x128xf32, #tpu.memory_space<vmem_shared>>
      tpu.wait_dma2 semaphore(%run_scoped3A : memref<!tpu.dma_semaphore, #tpu.memory_space<semaphore_mem>>) src(%arg8 : memref<640x128xf32, #tpu.memory_space<hbm>>) dst(%dma_wait3A_29 : memref<640x128xf32, #tpu.memory_space<vmem_shared>>)
      tpu.yield
    }) : () -> ()
    %barrier3A_12 = arith.constant 0 : index
    tpu.barrier barrier_id(%barrier3A_12)
    %scan3A_13 = arith.constant 0 : i32
    %scan3A_14 = arith.constant 0 : i32
    %scan3A_15 = arith.constant 5 : i32
    %scan3A_16 = arith.addi %scan3A_14, %scan3A_15 : i32
    %scan3A_17 = arith.constant 1 : i32
    scf.for %scan3A_28 = %scan3A_14 to %scan3A_16 step %scan3A_17  : i32 {
      %mul3A_29 = arith.constant 16 : i32
      %mul3A_30 = arith.muli %scan3A_28, %mul3A_29 : i32
      %add3A_31 = arith.addi %multiple_of3A_5, %mul3A_30 : i32
      %multiple_of3A_32 = tpu.assume_multiple %add3A_31, 8 : i32
      "tpu.region"() ({
        %run_scoped3A = tpu.sem_alloc : memref<!tpu.dma_semaphore, #tpu.memory_space<semaphore_mem>>
        %dma_start3A = arith.constant 0 : i32
        %dma_start3A_39 = tpu.memref_slice %arg6[%multiple_of3A_32, %dma_start3A] : memref<2560x128xi32, #tpu.memory_space<hbm>> -> memref<16x128xi32, #tpu.memory_space<hbm>>
        %dma_start3A_40 = arith.constant 0 : i32
        %dma_start3A_41 = tpu.memref_slice %arg6[%multiple_of3A_32, %dma_start3A_40] : memref<2560x128xi32, #tpu.memory_space<hbm>> -> memref<16x128xi32, #tpu.memory_space<hbm>>
        tpu.enqueue_dma source(%dma_start3A_41 : memref<16x128xi32, #tpu.memory_space<hbm>>) target(%arg12 : memref<16x128xi32, #tpu.memory_space<vmem>>) target_semaphore(%run_scoped3A : memref<!tpu.dma_semaphore, #tpu.memory_space<semaphore_mem>>)
        %dma_wait3A = arith.constant 0 : i32
        %dma_wait3A_42 = tpu.memref_slice %arg6[%multiple_of3A_32, %dma_wait3A] : memref<2560x128xi32, #tpu.memory_space<hbm>> -> memref<16x128xi32, #tpu.memory_space<hbm>>
        %dma_wait3A_43 = arith.constant 0 : i32
        %dma_wait3A_44 = tpu.memref_slice %arg6[%multiple_of3A_32, %dma_wait3A_43] : memref<2560x128xi32, #tpu.memory_space<hbm>> -> memref<16x128xi32, #tpu.memory_space<hbm>>
        tpu.wait_dma2 semaphore(%run_scoped3A : memref<!tpu.dma_semaphore, #tpu.memory_space<semaphore_mem>>) src(%dma_wait3A_44 : memref<16x128xi32, #tpu.memory_space<hbm>>) dst(%arg12 : memref<16x128xi32, #tpu.memory_space<vmem>>)
        tpu.yield
      }) : () -> ()
      "tpu.region"() ({
        %run_scoped3A = tpu.sem_alloc : memref<!tpu.dma_semaphore, #tpu.memory_space<semaphore_mem>>
        %dma_start3A = arith.constant 0 : i32
        %dma_start3A_39 = tpu.memref_slice %arg7[%multiple_of3A_32, %dma_start3A] : memref<2560x128xi32, #tpu.memory_space<hbm>> -> memref<16x128xi32, #tpu.memory_space<hbm>>
        %dma_start3A_40 = arith.constant 0 : i32
        %dma_start3A_41 = tpu.memref_slice %arg7[%multiple_of3A_32, %dma_start3A_40] : memref<2560x128xi32, #tpu.memory_space<hbm>> -> memref<16x128xi32, #tpu.memory_space<hbm>>
        tpu.enqueue_dma source(%dma_start3A_41 : memref<16x128xi32, #tpu.memory_space<hbm>>) target(%arg13 : memref<16x128xi32, #tpu.memory_space<vmem>>) target_semaphore(%run_scoped3A : memref<!tpu.dma_semaphore, #tpu.memory_space<semaphore_mem>>)
        %dma_wait3A = arith.constant 0 : i32
        %dma_wait3A_42 = tpu.memref_slice %arg7[%multiple_of3A_32, %dma_wait3A] : memref<2560x128xi32, #tpu.memory_space<hbm>> -> memref<16x128xi32, #tpu.memory_space<hbm>>
        %dma_wait3A_43 = arith.constant 0 : i32
        %dma_wait3A_44 = tpu.memref_slice %arg7[%multiple_of3A_32, %dma_wait3A_43] : memref<2560x128xi32, #tpu.memory_space<hbm>> -> memref<16x128xi32, #tpu.memory_space<hbm>>
        tpu.wait_dma2 semaphore(%run_scoped3A : memref<!tpu.dma_semaphore, #tpu.memory_space<semaphore_mem>>) src(%dma_wait3A_44 : memref<16x128xi32, #tpu.memory_space<hbm>>) dst(%arg13 : memref<16x128xi32, #tpu.memory_space<vmem>>)
        tpu.yield
      }) : () -> ()
      %scan3A_33 = arith.constant 0 : i32
      %scan3A_34 = arith.constant 0 : i32
      %scan3A_35 = arith.constant 16 : i32
      %scan3A_36 = arith.addi %scan3A_34, %scan3A_35 : i32
      %scan3A_37 = arith.constant 1 : i32
      scf.for %scan3A_39 = %scan3A_34 to %scan3A_36 step %scan3A_37  : i32 {
        %add3A_40 = arith.addi %multiple_of3A_32, %scan3A_39 : i32
        %mul3A_41 = arith.constant 128 : i32
        %mul3A_42 = arith.muli %add3A_40, %mul3A_41 : i32
        %multiple_of3A_43 = tpu.assume_multiple %mul3A_42, 8 : i32
        %dma_start3A = arith.constant 0 : i32
        %dma_start3A_44 = tpu.memref_slice %arg12[%scan3A_39, %dma_start3A] : memref<16x128xi32, #tpu.memory_space<vmem>> -> memref<1x128xi32, #tpu.memory_space<vmem>>
        %dma_start3A_45 = tpu.memref_squeeze %dma_start3A_44 : memref<1x128xi32, #tpu.memory_space<vmem>> -> memref<128xi32, #tpu.memory_space<vmem>>
        %dma_start3A_46 = arith.constant 0 : i32
        %dma_start3A_47 = arith.constant 0 : i32
        %dma_start3A_48 = tpu.memref_slice %arg3[%dma_start3A_46, %dma_start3A_47] : memref<10000x128xf32, #tpu.memory_space<hbm>> -> memref<10000x128xf32, #tpu.memory_space<hbm>>
        tpu.enqueue_indirect_dma source(%dma_start3A_48 : memref<10000x128xf32, #tpu.memory_space<hbm>>) target(%arg14 : memref<128x128xf32, #tpu.memory_space<vmem>>) offsets(%dma_start3A_45 : memref<128xi32, #tpu.memory_space<vmem>>) semaphore(%arg17 : memref<!tpu.dma_semaphore, #tpu.memory_space<semaphore_mem>>)
        %dma_start3A_49 = arith.constant 128 : i32
        %dma_start3A_50 = tpu.memref_slice %arg5[%multiple_of3A_43, %dma_start3A_49] : memref<327680x384xf32, #tpu.memory_space<hbm>> -> memref<128x128xf32, #tpu.memory_space<hbm>>
        %dma_start3A_51 = arith.constant 128 : i32
        %dma_start3A_52 = tpu.memref_slice %arg5[%multiple_of3A_43, %dma_start3A_51] : memref<327680x384xf32, #tpu.memory_space<hbm>> -> memref<128x128xf32, #tpu.memory_space<hbm>>
        tpu.enqueue_dma source(%dma_start3A_52 : memref<128x128xf32, #tpu.memory_space<hbm>>) target(%arg15 : memref<128x128xf32, #tpu.memory_space<vmem>>) target_semaphore(%arg18 : memref<!tpu.dma_semaphore, #tpu.memory_space<semaphore_mem>>)
        %dma_wait3A = arith.constant 0 : i32
        %dma_wait3A_53 = tpu.memref_slice %arg12[%scan3A_39, %dma_wait3A] : memref<16x128xi32, #tpu.memory_space<vmem>> -> memref<1x128xi32, #tpu.memory_space<vmem>>
        %dma_wait3A_54 = tpu.memref_squeeze %dma_wait3A_53 : memref<1x128xi32, #tpu.memory_space<vmem>> -> memref<128xi32, #tpu.memory_space<vmem>>
        %dma_wait3A_55 = arith.constant 0 : i32
        %dma_wait3A_56 = arith.constant 0 : i32
        %dma_wait3A_57 = tpu.memref_slice %arg3[%dma_wait3A_55, %dma_wait3A_56] : memref<10000x128xf32, #tpu.memory_space<hbm>> -> memref<10000x128xf32, #tpu.memory_space<hbm>>
        tpu.wait_indirect_dma semaphore(%arg17 : memref<!tpu.dma_semaphore, #tpu.memory_space<semaphore_mem>>) src(%dma_wait3A_57 : memref<10000x128xf32, #tpu.memory_space<hbm>>) dst(%arg14 : memref<128x128xf32, #tpu.memory_space<vmem>>)
        %dma_wait3A_58 = arith.constant 128 : i32
        %dma_wait3A_59 = tpu.memref_slice %arg5[%multiple_of3A_43, %dma_wait3A_58] : memref<327680x384xf32, #tpu.memory_space<hbm>> -> memref<128x128xf32, #tpu.memory_space<hbm>>
        %dma_wait3A_60 = arith.constant 128 : i32
        %dma_wait3A_61 = tpu.memref_slice %arg5[%multiple_of3A_43, %dma_wait3A_60] : memref<327680x384xf32, #tpu.memory_space<hbm>> -> memref<128x128xf32, #tpu.memory_space<hbm>>
        tpu.wait_dma2 semaphore(%arg18 : memref<!tpu.dma_semaphore, #tpu.memory_space<semaphore_mem>>) src(%dma_wait3A_61 : memref<128x128xf32, #tpu.memory_space<hbm>>) dst(%arg15 : memref<128x128xf32, #tpu.memory_space<vmem>>)
        %scan3A_62 = arith.constant 0 : i32
        %scan3A_63 = arith.constant 0 : i32
        %scan3A_64 = arith.constant 64 : i32
        %scan3A_65 = arith.addi %scan3A_63, %scan3A_64 : i32
        %scan3A_66 = arith.constant 1 : i32
        scf.for %scan3A_68 = %scan3A_63 to %scan3A_65 step %scan3A_66  : i32 {
          %mul3A_69 = arith.constant 2 : i32
          %mul3A_70 = arith.muli %mul3A_69, %scan3A_68 : i32
          %add3A_71 = arith.constant 0 : i32
          %add3A_72 = arith.addi %mul3A_70, %add3A_71 : i32
          %get3A = arith.index_cast %add3A_72 : i32 to index
          %get3A_73 = arith.constant 0 : index
          %get3A_74 = tpu.vector_load %arg14[%get3A, %get3A_73] {strides = array<i32>} : memref<128x128xf32, #tpu.memory_space<vmem>>, vector<1x16xf32>,
          %get3A_75 = vector.shape_cast %get3A_74 : vector<1x16xf32> to vector<16xf32>
          %get3A_76 = arith.index_cast %add3A_72 : i32 to index
          %get3A_77 = arith.constant 0 : index
          %get3A_78 = tpu.vector_load %arg15[%get3A_76, %get3A_77] {strides = array<i32>} : memref<128x128xf32, #tpu.memory_space<vmem>>, vector<1x16xf32>,
          %get3A_79 = vector.shape_cast %get3A_78 : vector<1x16xf32> to vector<16xf32>
          %add3A_80 = arith.addf %get3A_75, %get3A_79 : vector<16xf32>
          %max3A = arith.constant 0.000000e+00 : f32
          %max3A_81 = vector.broadcast %max3A : f32 to vector<16xf32>
          %max3A_82 = arith.maximumf %add3A_80, %max3A_81 : vector<16xf32>
          %swap3A = arith.index_cast %add3A_72 : i32 to index
          %swap3A_83 = arith.constant 0 : index
          %swap3A_84 = tpu.vector_load %arg14[%swap3A, %swap3A_83] {strides = array<i32>} : memref<128x128xf32, #tpu.memory_space<vmem>>, vector<1x16xf32>,
          %swap3A_85 = vector.shape_cast %swap3A_84 : vector<1x16xf32> to vector<16xf32>
          %swap3A_86 = vector.shape_cast %max3A_82 : vector<16xf32> to vector<1x16xf32>
          tpu.vector_store %arg14[%swap3A, %swap3A_83], %swap3A_86 {strides = array<i32>} : memref<128x128xf32, #tpu.memory_space<vmem>>, vector<1x16xf32>,
          %get3A_87 = arith.index_cast %add3A_72 : i32 to index
          %get3A_88 = arith.constant 16 : index
          %get3A_89 = tpu.vector_load %arg14[%get3A_87, %get3A_88] {strides = array<i32>} : memref<128x128xf32, #tpu.memory_space<vmem>>, vector<1x16xf32>,
          %get3A_90 = vector.shape_cast %get3A_89 : vector<1x16xf32> to vector<16xf32>
          %get3A_91 = arith.index_cast %add3A_72 : i32 to index
          %get3A_92 = arith.constant 16 : index
          %get3A_93 = tpu.vector_load %arg15[%get3A_91, %get3A_92] {strides = array<i32>} : memref<128x128xf32, #tpu.memory_space<vmem>>, vector<1x16xf32>,
          %get3A_94 = vector.shape_cast %get3A_93 : vector<1x16xf32> to vector<16xf32>
          %add3A_95 = arith.addf %get3A_90, %get3A_94 : vector<16xf32>
          %max3A_96 = arith.constant 0.000000e+00 : f32
          %max3A_97 = vector.broadcast %max3A_96 : f32 to vector<16xf32>
          %max3A_98 = arith.maximumf %add3A_95, %max3A_97 : vector<16xf32>
          %swap3A_99 = arith.index_cast %add3A_72 : i32 to index
          %swap3A_100 = arith.constant 16 : index
          %swap3A_101 = tpu.vector_load %arg14[%swap3A_99, %swap3A_100] {strides = array<i32>} : memref<128x128xf32, #tpu.memory_space<vmem>>, vector<1x16xf32>,
          %swap3A_102 = vector.shape_cast %swap3A_101 : vector<1x16xf32> to vector<16xf32>
          %swap3A_103 = vector.shape_cast %max3A_98 : vector<16xf32> to vector<1x16xf32>
          tpu.vector_store %arg14[%swap3A_99, %swap3A_100], %swap3A_103 {strides = array<i32>} : memref<128x128xf32, #tpu.memory_space<vmem>>, vector<1x16xf32>,
          %get3A_104 = arith.index_cast %add3A_72 : i32 to index
          %get3A_105 = arith.constant 32 : index
          %get3A_106 = tpu.vector_load %arg14[%get3A_104, %get3A_105] {strides = array<i32>} : memref<128x128xf32, #tpu.memory_space<vmem>>, vector<1x16xf32>,
          %get3A_107 = vector.shape_cast %get3A_106 : vector<1x16xf32> to vector<16xf32>
          %get3A_108 = arith.index_cast %add3A_72 : i32 to index
          %get3A_109 = arith.constant 32 : index
          %get3A_110 = tpu.vector_load %arg15[%get3A_108, %get3A_109] {strides = array<i32>} : memref<128x128xf32, #tpu.memory_space<vmem>>, vector<1x16xf32>,
          %get3A_111 = vector.shape_cast %get3A_110 : vector<1x16xf32> to vector<16xf32>
          %add3A_112 = arith.addf %get3A_107, %get3A_111 : vector<16xf32>
          %max3A_113 = arith.constant 0.000000e+00 : f32
          %max3A_114 = vector.broadcast %max3A_113 : f32 to vector<16xf32>
          %max3A_115 = arith.maximumf %add3A_112, %max3A_114 : vector<16xf32>
          %swap3A_116 = arith.index_cast %add3A_72 : i32 to index
          %swap3A_117 = arith.constant 32 : index
          %swap3A_118 = tpu.vector_load %arg14[%swap3A_116, %swap3A_117] {strides = array<i32>} : memref<128x128xf32, #tpu.memory_space<vmem>>, vector<1x16xf32>,
          %swap3A_119 = vector.shape_cast %swap3A_118 : vector<1x16xf32> to vector<16xf32>
          %swap3A_120 = vector.shape_cast %max3A_115 : vector<16xf32> to vector<1x16xf32>
          tpu.vector_store %arg14[%swap3A_116, %swap3A_117], %swap3A_120 {strides = array<i32>} : memref<128x128xf32, #tpu.memory_space<vmem>>, vector<1x16xf32>,
          %get3A_121 = arith.index_cast %add3A_72 : i32 to index
          %get3A_122 = arith.constant 48 : index
          %get3A_123 = tpu.vector_load %arg14[%get3A_121, %get3A_122] {strides = array<i32>} : memref<128x128xf32, #tpu.memory_space<vmem>>, vector<1x16xf32>,
          %get3A_124 = vector.shape_cast %get3A_123 : vector<1x16xf32> to vector<16xf32>
          %get3A_125 = arith.index_cast %add3A_72 : i32 to index
          %get3A_126 = arith.constant 48 : index
          %get3A_127 = tpu.vector_load %arg15[%get3A_125, %get3A_126] {strides = array<i32>} : memref<128x128xf32, #tpu.memory_space<vmem>>, vector<1x16xf32>,
          %get3A_128 = vector.shape_cast %get3A_127 : vector<1x16xf32> to vector<16xf32>
          %add3A_129 = arith.addf %get3A_124, %get3A_128 : vector<16xf32>
          %max3A_130 = arith.constant 0.000000e+00 : f32
          %max3A_131 = vector.broadcast %max3A_130 : f32 to vector<16xf32>
          %max3A_132 = arith.maximumf %add3A_129, %max3A_131 : vector<16xf32>
          %swap3A_133 = arith.index_cast %add3A_72 : i32 to index
          %swap3A_134 = arith.constant 48 : index
          %swap3A_135 = tpu.vector_load %arg14[%swap3A_133, %swap3A_134] {strides = array<i32>} : memref<128x128xf32, #tpu.memory_space<vmem>>, vector<1x16xf32>,
          %swap3A_136 = vector.shape_cast %swap3A_135 : vector<1x16xf32> to vector<16xf32>
          %swap3A_137 = vector.shape_cast %max3A_132 : vector<16xf32> to vector<1x16xf32>
          tpu.vector_store %arg14[%swap3A_133, %swap3A_134], %swap3A_137 {strides = array<i32>} : memref<128x128xf32, #tpu.memory_space<vmem>>, vector<1x16xf32>,
          %get3A_138 = arith.index_cast %add3A_72 : i32 to index
          %get3A_139 = arith.constant 64 : index
          %get3A_140 = tpu.vector_load %arg14[%get3A_138, %get3A_139] {strides = array<i32>} : memref<128x128xf32, #tpu.memory_space<vmem>>, vector<1x16xf32>,
          %get3A_141 = vector.shape_cast %get3A_140 : vector<1x16xf32> to vector<16xf32>
          %get3A_142 = arith.index_cast %add3A_72 : i32 to index
          %get3A_143 = arith.constant 64 : index
          %get3A_144 = tpu.vector_load %arg15[%get3A_142, %get3A_143] {strides = array<i32>} : memref<128x128xf32, #tpu.memory_space<vmem>>, vector<1x16xf32>,
          %get3A_145 = vector.shape_cast %get3A_144 : vector<1x16xf32> to vector<16xf32>
          %add3A_146 = arith.addf %get3A_141, %get3A_145 : vector<16xf32>
          %max3A_147 = arith.constant 0.000000e+00 : f32
          %max3A_148 = vector.broadcast %max3A_147 : f32 to vector<16xf32>
          %max3A_149 = arith.maximumf %add3A_146, %max3A_148 : vector<16xf32>
          %swap3A_150 = arith.index_cast %add3A_72 : i32 to index
          %swap3A_151 = arith.constant 64 : index
          %swap3A_152 = tpu.vector_load %arg14[%swap3A_150, %swap3A_151] {strides = array<i32>} : memref<128x128xf32, #tpu.memory_space<vmem>>, vector<1x16xf32>,
          %swap3A_153 = vector.shape_cast %swap3A_152 : vector<1x16xf32> to vector<16xf32>
          %swap3A_154 = vector.shape_cast %max3A_149 : vector<16xf32> to vector<1x16xf32>
          tpu.vector_store %arg14[%swap3A_150, %swap3A_151], %swap3A_154 {strides = array<i32>} : memref<128x128xf32, #tpu.memory_space<vmem>>, vector<1x16xf32>,
          %get3A_155 = arith.index_cast %add3A_72 : i32 to index
          %get3A_156 = arith.constant 80 : index
          %get3A_157 = tpu.vector_load %arg14[%get3A_155, %get3A_156] {strides = array<i32>} : memref<128x128xf32, #tpu.memory_space<vmem>>, vector<1x16xf32>,
          %get3A_158 = vector.shape_cast %get3A_157 : vector<1x16xf32> to vector<16xf32>
          %get3A_159 = arith.index_cast %add3A_72 : i32 to index
          %get3A_160 = arith.constant 80 : index
          %get3A_161 = tpu.vector_load %arg15[%get3A_159, %get3A_160] {strides = array<i32>} : memref<128x128xf32, #tpu.memory_space<vmem>>, vector<1x16xf32>,
          %get3A_162 = vector.shape_cast %get3A_161 : vector<1x16xf32> to vector<16xf32>
          %add3A_163 = arith.addf %get3A_158, %get3A_162 : vector<16xf32>
          %max3A_164 = arith.constant 0.000000e+00 : f32
          %max3A_165 = vector.broadcast %max3A_164 : f32 to vector<16xf32>
          %max3A_166 = arith.maximumf %add3A_163, %max3A_165 : vector<16xf32>
          %swap3A_167 = arith.index_cast %add3A_72 : i32 to index
          %swap3A_168 = arith.constant 80 : index
          %swap3A_169 = tpu.vector_load %arg14[%swap3A_167, %swap3A_168] {strides = array<i32>} : memref<128x128xf32, #tpu.memory_space<vmem>>, vector<1x16xf32>,
          %swap3A_170 = vector.shape_cast %swap3A_169 : vector<1x16xf32> to vector<16xf32>
          %swap3A_171 = vector.shape_cast %max3A_166 : vector<16xf32> to vector<1x16xf32>
          tpu.vector_store %arg14[%swap3A_167, %swap3A_168], %swap3A_171 {strides = array<i32>} : memref<128x128xf32, #tpu.memory_space<vmem>>, vector<1x16xf32>,
          %get3A_172 = arith.index_cast %add3A_72 : i32 to index
          %get3A_173 = arith.constant 96 : index
          %get3A_174 = tpu.vector_load %arg14[%get3A_172, %get3A_173] {strides = array<i32>} : memref<128x128xf32, #tpu.memory_space<vmem>>, vector<1x16xf32>,
          %get3A_175 = vector.shape_cast %get3A_174 : vector<1x16xf32> to vector<16xf32>
          %get3A_176 = arith.index_cast %add3A_72 : i32 to index
          %get3A_177 = arith.constant 96 : index
          %get3A_178 = tpu.vector_load %arg15[%get3A_176, %get3A_177] {strides = array<i32>} : memref<128x128xf32, #tpu.memory_space<vmem>>, vector<1x16xf32>,
          %get3A_179 = vector.shape_cast %get3A_178 : vector<1x16xf32> to vector<16xf32>
          %add3A_180 = arith.addf %get3A_175, %get3A_179 : vector<16xf32>
          %max3A_181 = arith.constant 0.000000e+00 : f32
          %max3A_182 = vector.broadcast %max3A_181 : f32 to vector<16xf32>
          %max3A_183 = arith.maximumf %add3A_180, %max3A_182 : vector<16xf32>
          %swap3A_184 = arith.index_cast %add3A_72 : i32 to index
          %swap3A_185 = arith.constant 96 : index
          %swap3A_186 = tpu.vector_load %arg14[%swap3A_184, %swap3A_185] {strides = array<i32>} : memref<128x128xf32, #tpu.memory_space<vmem>>, vector<1x16xf32>,
          %swap3A_187 = vector.shape_cast %swap3A_186 : vector<1x16xf32> to vector<16xf32>
          %swap3A_188 = vector.shape_cast %max3A_183 : vector<16xf32> to vector<1x16xf32>
          tpu.vector_store %arg14[%swap3A_184, %swap3A_185], %swap3A_188 {strides = array<i32>} : memref<128x128xf32, #tpu.memory_space<vmem>>, vector<1x16xf32>,
          %get3A_189 = arith.index_cast %add3A_72 : i32 to index
          %get3A_190 = arith.constant 112 : index
          %get3A_191 = tpu.vector_load %arg14[%get3A_189, %get3A_190] {strides = array<i32>} : memref<128x128xf32, #tpu.memory_space<vmem>>, vector<1x16xf32>,
          %get3A_192 = vector.shape_cast %get3A_191 : vector<1x16xf32> to vector<16xf32>
          %get3A_193 = arith.index_cast %add3A_72 : i32 to index
          %get3A_194 = arith.constant 112 : index
          %get3A_195 = tpu.vector_load %arg15[%get3A_193, %get3A_194] {strides = array<i32>} : memref<128x128xf32, #tpu.memory_space<vmem>>, vector<1x16xf32>,
          %get3A_196 = vector.shape_cast %get3A_195 : vector<1x16xf32> to vector<16xf32>
          %add3A_197 = arith.addf %get3A_192, %get3A_196 : vector<16xf32>
          %max3A_198 = arith.constant 0.000000e+00 : f32
          %max3A_199 = vector.broadcast %max3A_198 : f32 to vector<16xf32>
          %max3A_200 = arith.maximumf %add3A_197, %max3A_199 : vector<16xf32>
          %swap3A_201 = arith.index_cast %add3A_72 : i32 to index
          %swap3A_202 = arith.constant 112 : index
          %swap3A_203 = tpu.vector_load %arg14[%swap3A_201, %swap3A_202] {strides = array<i32>} : memref<128x128xf32, #tpu.memory_space<vmem>>, vector<1x16xf32>,
          %swap3A_204 = vector.shape_cast %swap3A_203 : vector<1x16xf32> to vector<16xf32>
          %swap3A_205 = vector.shape_cast %max3A_200 : vector<16xf32> to vector<1x16xf32>
          tpu.vector_store %arg14[%swap3A_201, %swap3A_202], %swap3A_205 {strides = array<i32>} : memref<128x128xf32, #tpu.memory_space<vmem>>, vector<1x16xf32>,
          %mul3A_206 = arith.constant 2 : i32
          %mul3A_207 = arith.muli %mul3A_206, %scan3A_68 : i32
          %add3A_208 = arith.constant 1 : i32
          %add3A_209 = arith.addi %mul3A_207, %add3A_208 : i32
          %get3A_210 = arith.index_cast %add3A_209 : i32 to index
          %get3A_211 = arith.constant 0 : index
          %get3A_212 = tpu.vector_load %arg14[%get3A_210, %get3A_211] {strides = array<i32>} : memref<128x128xf32, #tpu.memory_space<vmem>>, vector<1x16xf32>,
          %get3A_213 = vector.shape_cast %get3A_212 : vector<1x16xf32> to vector<16xf32>
          %get3A_214 = arith.index_cast %add3A_209 : i32 to index
          %get3A_215 = arith.constant 0 : index
          %get3A_216 = tpu.vector_load %arg15[%get3A_214, %get3A_215] {strides = array<i32>} : memref<128x128xf32, #tpu.memory_space<vmem>>, vector<1x16xf32>,
          %get3A_217 = vector.shape_cast %get3A_216 : vector<1x16xf32> to vector<16xf32>
          %add3A_218 = arith.addf %get3A_213, %get3A_217 : vector<16xf32>
          %max3A_219 = arith.constant 0.000000e+00 : f32
          %max3A_220 = vector.broadcast %max3A_219 : f32 to vector<16xf32>
          %max3A_221 = arith.maximumf %add3A_218, %max3A_220 : vector<16xf32>
          %swap3A_222 = arith.index_cast %add3A_209 : i32 to index
          %swap3A_223 = arith.constant 0 : index
          %swap3A_224 = tpu.vector_load %arg14[%swap3A_222, %swap3A_223] {strides = array<i32>} : memref<128x128xf32, #tpu.memory_space<vmem>>, vector<1x16xf32>,
          %swap3A_225 = vector.shape_cast %swap3A_224 : vector<1x16xf32> to vector<16xf32>
          %swap3A_226 = vector.shape_cast %max3A_221 : vector<16xf32> to vector<1x16xf32>
          tpu.vector_store %arg14[%swap3A_222, %swap3A_223], %swap3A_226 {strides = array<i32>} : memref<128x128xf32, #tpu.memory_space<vmem>>, vector<1x16xf32>,
          %get3A_227 = arith.index_cast %add3A_209 : i32 to index
          %get3A_228 = arith.constant 16 : index
          %get3A_229 = tpu.vector_load %arg14[%get3A_227, %get3A_228] {strides = array<i32>} : memref<128x128xf32, #tpu.memory_space<vmem>>, vector<1x16xf32>,
          %get3A_230 = vector.shape_cast %get3A_229 : vector<1x16xf32> to vector<16xf32>
          %get3A_231 = arith.index_cast %add3A_209 : i32 to index
          %get3A_232 = arith.constant 16 : index
          %get3A_233 = tpu.vector_load %arg15[%get3A_231, %get3A_232] {strides = array<i32>} : memref<128x128xf32, #tpu.memory_space<vmem>>, vector<1x16xf32>,
          %get3A_234 = vector.shape_cast %get3A_233 : vector<1x16xf32> to vector<16xf32>
          %add3A_235 = arith.addf %get3A_230, %get3A_234 : vector<16xf32>
          %max3A_236 = arith.constant 0.000000e+00 : f32
          %max3A_237 = vector.broadcast %max3A_236 : f32 to vector<16xf32>
          %max3A_238 = arith.maximumf %add3A_235, %max3A_237 : vector<16xf32>
          %swap3A_239 = arith.index_cast %add3A_209 : i32 to index
          %swap3A_240 = arith.constant 16 : index
          %swap3A_241 = tpu.vector_load %arg14[%swap3A_239, %swap3A_240] {strides = array<i32>} : memref<128x128xf32, #tpu.memory_space<vmem>>, vector<1x16xf32>,
          %swap3A_242 = vector.shape_cast %swap3A_241 : vector<1x16xf32> to vector<16xf32>
          %swap3A_243 = vector.shape_cast %max3A_238 : vector<16xf32> to vector<1x16xf32>
          tpu.vector_store %arg14[%swap3A_239, %swap3A_240], %swap3A_243 {strides = array<i32>} : memref<128x128xf32, #tpu.memory_space<vmem>>, vector<1x16xf32>,
          %get3A_244 = arith.index_cast %add3A_209 : i32 to index
          %get3A_245 = arith.constant 32 : index
          %get3A_246 = tpu.vector_load %arg14[%get3A_244, %get3A_245] {strides = array<i32>} : memref<128x128xf32, #tpu.memory_space<vmem>>, vector<1x16xf32>,
          %get3A_247 = vector.shape_cast %get3A_246 : vector<1x16xf32> to vector<16xf32>
          %get3A_248 = arith.index_cast %add3A_209 : i32 to index
          %get3A_249 = arith.constant 32 : index
          %get3A_250 = tpu.vector_load %arg15[%get3A_248, %get3A_249] {strides = array<i32>} : memref<128x128xf32, #tpu.memory_space<vmem>>, vector<1x16xf32>,
          %get3A_251 = vector.shape_cast %get3A_250 : vector<1x16xf32> to vector<16xf32>
          %add3A_252 = arith.addf %get3A_247, %get3A_251 : vector<16xf32>
          %max3A_253 = arith.constant 0.000000e+00 : f32
          %max3A_254 = vector.broadcast %max3A_253 : f32 to vector<16xf32>
          %max3A_255 = arith.maximumf %add3A_252, %max3A_254 : vector<16xf32>
          %swap3A_256 = arith.index_cast %add3A_209 : i32 to index
          %swap3A_257 = arith.constant 32 : index
          %swap3A_258 = tpu.vector_load %arg14[%swap3A_256, %swap3A_257] {strides = array<i32>} : memref<128x128xf32, #tpu.memory_space<vmem>>, vector<1x16xf32>,
          %swap3A_259 = vector.shape_cast %swap3A_258 : vector<1x16xf32> to vector<16xf32>
          %swap3A_260 = vector.shape_cast %max3A_255 : vector<16xf32> to vector<1x16xf32>
          tpu.vector_store %arg14[%swap3A_256, %swap3A_257], %swap3A_260 {strides = array<i32>} : memref<128x128xf32, #tpu.memory_space<vmem>>, vector<1x16xf32>,
          %get3A_261 = arith.index_cast %add3A_209 : i32 to index
          %get3A_262 = arith.constant 48 : index
          %get3A_263 = tpu.vector_load %arg14[%get3A_261, %get3A_262] {strides = array<i32>} : memref<128x128xf32, #tpu.memory_space<vmem>>, vector<1x16xf32>,
          %get3A_264 = vector.shape_cast %get3A_263 : vector<1x16xf32> to vector<16xf32>
          %get3A_265 = arith.index_cast %add3A_209 : i32 to index
          %get3A_266 = arith.constant 48 : index
          %get3A_267 = tpu.vector_load %arg15[%get3A_265, %get3A_266] {strides = array<i32>} : memref<128x128xf32, #tpu.memory_space<vmem>>, vector<1x16xf32>,
          %get3A_268 = vector.shape_cast %get3A_267 : vector<1x16xf32> to vector<16xf32>
          %add3A_269 = arith.addf %get3A_264, %get3A_268 : vector<16xf32>
          %max3A_270 = arith.constant 0.000000e+00 : f32
          %max3A_271 = vector.broadcast %max3A_270 : f32 to vector<16xf32>
          %max3A_272 = arith.maximumf %add3A_269, %max3A_271 : vector<16xf32>
          %swap3A_273 = arith.index_cast %add3A_209 : i32 to index
          %swap3A_274 = arith.constant 48 : index
          %swap3A_275 = tpu.vector_load %arg14[%swap3A_273, %swap3A_274] {strides = array<i32>} : memref<128x128xf32, #tpu.memory_space<vmem>>, vector<1x16xf32>,
          %swap3A_276 = vector.shape_cast %swap3A_275 : vector<1x16xf32> to vector<16xf32>
          %swap3A_277 = vector.shape_cast %max3A_272 : vector<16xf32> to vector<1x16xf32>
          tpu.vector_store %arg14[%swap3A_273, %swap3A_274], %swap3A_277 {strides = array<i32>} : memref<128x128xf32, #tpu.memory_space<vmem>>, vector<1x16xf32>,
          %get3A_278 = arith.index_cast %add3A_209 : i32 to index
          %get3A_279 = arith.constant 64 : index
          %get3A_280 = tpu.vector_load %arg14[%get3A_278, %get3A_279] {strides = array<i32>} : memref<128x128xf32, #tpu.memory_space<vmem>>, vector<1x16xf32>,
          %get3A_281 = vector.shape_cast %get3A_280 : vector<1x16xf32> to vector<16xf32>
          %get3A_282 = arith.index_cast %add3A_209 : i32 to index
          %get3A_283 = arith.constant 64 : index
          %get3A_284 = tpu.vector_load %arg15[%get3A_282, %get3A_283] {strides = array<i32>} : memref<128x128xf32, #tpu.memory_space<vmem>>, vector<1x16xf32>,
          %get3A_285 = vector.shape_cast %get3A_284 : vector<1x16xf32> to vector<16xf32>
          %add3A_286 = arith.addf %get3A_281, %get3A_285 : vector<16xf32>
          %max3A_287 = arith.constant 0.000000e+00 : f32
          %max3A_288 = vector.broadcast %max3A_287 : f32 to vector<16xf32>
          %max3A_289 = arith.maximumf %add3A_286, %max3A_288 : vector<16xf32>
          %swap3A_290 = arith.index_cast %add3A_209 : i32 to index
          %swap3A_291 = arith.constant 64 : index
          %swap3A_292 = tpu.vector_load %arg14[%swap3A_290, %swap3A_291] {strides = array<i32>} : memref<128x128xf32, #tpu.memory_space<vmem>>, vector<1x16xf32>,
          %swap3A_293 = vector.shape_cast %swap3A_292 : vector<1x16xf32> to vector<16xf32>
          %swap3A_294 = vector.shape_cast %max3A_289 : vector<16xf32> to vector<1x16xf32>
          tpu.vector_store %arg14[%swap3A_290, %swap3A_291], %swap3A_294 {strides = array<i32>} : memref<128x128xf32, #tpu.memory_space<vmem>>, vector<1x16xf32>,
          %get3A_295 = arith.index_cast %add3A_209 : i32 to index
          %get3A_296 = arith.constant 80 : index
          %get3A_297 = tpu.vector_load %arg14[%get3A_295, %get3A_296] {strides = array<i32>} : memref<128x128xf32, #tpu.memory_space<vmem>>, vector<1x16xf32>,
          %get3A_298 = vector.shape_cast %get3A_297 : vector<1x16xf32> to vector<16xf32>
          %get3A_299 = arith.index_cast %add3A_209 : i32 to index
          %get3A_300 = arith.constant 80 : index
          %get3A_301 = tpu.vector_load %arg15[%get3A_299, %get3A_300] {strides = array<i32>} : memref<128x128xf32, #tpu.memory_space<vmem>>, vector<1x16xf32>,
          %get3A_302 = vector.shape_cast %get3A_301 : vector<1x16xf32> to vector<16xf32>
          %add3A_303 = arith.addf %get3A_298, %get3A_302 : vector<16xf32>
          %max3A_304 = arith.constant 0.000000e+00 : f32
          %max3A_305 = vector.broadcast %max3A_304 : f32 to vector<16xf32>
          %max3A_306 = arith.maximumf %add3A_303, %max3A_305 : vector<16xf32>
          %swap3A_307 = arith.index_cast %add3A_209 : i32 to index
          %swap3A_308 = arith.constant 80 : index
          %swap3A_309 = tpu.vector_load %arg14[%swap3A_307, %swap3A_308] {strides = array<i32>} : memref<128x128xf32, #tpu.memory_space<vmem>>, vector<1x16xf32>,
          %swap3A_310 = vector.shape_cast %swap3A_309 : vector<1x16xf32> to vector<16xf32>
          %swap3A_311 = vector.shape_cast %max3A_306 : vector<16xf32> to vector<1x16xf32>
          tpu.vector_store %arg14[%swap3A_307, %swap3A_308], %swap3A_311 {strides = array<i32>} : memref<128x128xf32, #tpu.memory_space<vmem>>, vector<1x16xf32>,
          %get3A_312 = arith.index_cast %add3A_209 : i32 to index
          %get3A_313 = arith.constant 96 : index
          %get3A_314 = tpu.vector_load %arg14[%get3A_312, %get3A_313] {strides = array<i32>} : memref<128x128xf32, #tpu.memory_space<vmem>>, vector<1x16xf32>,
          %get3A_315 = vector.shape_cast %get3A_314 : vector<1x16xf32> to vector<16xf32>
          %get3A_316 = arith.index_cast %add3A_209 : i32 to index
          %get3A_317 = arith.constant 96 : index
          %get3A_318 = tpu.vector_load %arg15[%get3A_316, %get3A_317] {strides = array<i32>} : memref<128x128xf32, #tpu.memory_space<vmem>>, vector<1x16xf32>,
          %get3A_319 = vector.shape_cast %get3A_318 : vector<1x16xf32> to vector<16xf32>
          %add3A_320 = arith.addf %get3A_315, %get3A_319 : vector<16xf32>
          %max3A_321 = arith.constant 0.000000e+00 : f32
          %max3A_322 = vector.broadcast %max3A_321 : f32 to vector<16xf32>
          %max3A_323 = arith.maximumf %add3A_320, %max3A_322 : vector<16xf32>
          %swap3A_324 = arith.index_cast %add3A_209 : i32 to index
          %swap3A_325 = arith.constant 96 : index
          %swap3A_326 = tpu.vector_load %arg14[%swap3A_324, %swap3A_325] {strides = array<i32>} : memref<128x128xf32, #tpu.memory_space<vmem>>, vector<1x16xf32>,
          %swap3A_327 = vector.shape_cast %swap3A_326 : vector<1x16xf32> to vector<16xf32>
          %swap3A_328 = vector.shape_cast %max3A_323 : vector<16xf32> to vector<1x16xf32>
          tpu.vector_store %arg14[%swap3A_324, %swap3A_325], %swap3A_328 {strides = array<i32>} : memref<128x128xf32, #tpu.memory_space<vmem>>, vector<1x16xf32>,
          %get3A_329 = arith.index_cast %add3A_209 : i32 to index
          %get3A_330 = arith.constant 112 : index
          %get3A_331 = tpu.vector_load %arg14[%get3A_329, %get3A_330] {strides = array<i32>} : memref<128x128xf32, #tpu.memory_space<vmem>>, vector<1x16xf32>,
          %get3A_332 = vector.shape_cast %get3A_331 : vector<1x16xf32> to vector<16xf32>
          %get3A_333 = arith.index_cast %add3A_209 : i32 to index
          %get3A_334 = arith.constant 112 : index
          %get3A_335 = tpu.vector_load %arg15[%get3A_333, %get3A_334] {strides = array<i32>} : memref<128x128xf32, #tpu.memory_space<vmem>>, vector<1x16xf32>,
          %get3A_336 = vector.shape_cast %get3A_335 : vector<1x16xf32> to vector<16xf32>
          %add3A_337 = arith.addf %get3A_332, %get3A_336 : vector<16xf32>
          %max3A_338 = arith.constant 0.000000e+00 : f32
          %max3A_339 = vector.broadcast %max3A_338 : f32 to vector<16xf32>
          %max3A_340 = arith.maximumf %add3A_337, %max3A_339 : vector<16xf32>
          %swap3A_341 = arith.index_cast %add3A_209 : i32 to index
          %swap3A_342 = arith.constant 112 : index
          %swap3A_343 = tpu.vector_load %arg14[%swap3A_341, %swap3A_342] {strides = array<i32>} : memref<128x128xf32, #tpu.memory_space<vmem>>, vector<1x16xf32>,
          %swap3A_344 = vector.shape_cast %swap3A_343 : vector<1x16xf32> to vector<16xf32>
          %swap3A_345 = vector.shape_cast %max3A_340 : vector<16xf32> to vector<1x16xf32>
          tpu.vector_store %arg14[%swap3A_341, %swap3A_342], %swap3A_345 {strides = array<i32>} : memref<128x128xf32, #tpu.memory_space<vmem>>, vector<1x16xf32>,
        }
        %scan3A_67 = arith.constant 64 : i32
        "tpu.region"() ({
          %run_scoped3A = tpu.sem_alloc : memref<!tpu.dma_semaphore, #tpu.memory_space<semaphore_mem>>
          %dma_start3A_68 = arith.constant 0 : i32
          %dma_start3A_69 = tpu.memref_slice %arg13[%scan3A_39, %dma_start3A_68] : memref<16x128xi32, #tpu.memory_space<vmem>> -> memref<1x128xi32, #tpu.memory_space<vmem>>
          %dma_start3A_70 = tpu.memref_squeeze %dma_start3A_69 : memref<1x128xi32, #tpu.memory_space<vmem>> -> memref<128xi32, #tpu.memory_space<vmem>>
          %dma_start3A_71 = arith.constant 0 : i32
          %dma_start3A_72 = arith.constant 0 : i32
          %dma_start3A_73 = tpu.memref_slice %arg16[%dma_start3A_71, %dma_start3A_72] : memref<10240x128xf32, #tpu.memory_space<vmem_shared>> -> memref<10240x128xf32, #tpu.memory_space<vmem_shared>>
          tpu.enqueue_indirect_dma source(%arg14 : memref<128x128xf32, #tpu.memory_space<vmem>>) target(%dma_start3A_73 : memref<10240x128xf32, #tpu.memory_space<vmem_shared>>) offsets(%dma_start3A_70 : memref<128xi32, #tpu.memory_space<vmem>>) semaphore(%run_scoped3A : memref<!tpu.dma_semaphore, #tpu.memory_space<semaphore_mem>>) {add = true}
          %dma_wait3A_74 = arith.constant 0 : i32
          %dma_wait3A_75 = tpu.memref_slice %arg13[%scan3A_39, %dma_wait3A_74] : memref<16x128xi32, #tpu.memory_space<vmem>> -> memref<1x128xi32, #tpu.memory_space<vmem>>
          %dma_wait3A_76 = tpu.memref_squeeze %dma_wait3A_75 : memref<1x128xi32, #tpu.memory_space<vmem>> -> memref<128xi32, #tpu.memory_space<vmem>>
          %dma_wait3A_77 = arith.constant 0 : i32
          %dma_wait3A_78 = arith.constant 0 : i32
          %dma_wait3A_79 = tpu.memref_slice %arg16[%dma_wait3A_77, %dma_wait3A_78] : memref<10240x128xf32, #tpu.memory_space<vmem_shared>> -> memref<10240x128xf32, #tpu.memory_space<vmem_shared>>
          tpu.wait_indirect_dma semaphore(%run_scoped3A : memref<!tpu.dma_semaphore, #tpu.memory_space<semaphore_mem>>) src(%arg14 : memref<128x128xf32, #tpu.memory_space<vmem>>) dst(%dma_wait3A_79 : memref<10240x128xf32, #tpu.memory_space<vmem_shared>>)
          tpu.yield
        }) : () -> ()
      }
      %scan3A_38 = arith.constant 16 : i32
    }
    %scan3A_18 = arith.constant 5 : i32
    %barrier3A_19 = arith.constant 0 : index
    tpu.barrier barrier_id(%barrier3A_19)
    "tpu.region"() ({
      %run_scoped3A = tpu.sem_alloc : memref<!tpu.dma_semaphore, #tpu.memory_space<semaphore_mem>>
      %dma_start3A = arith.constant 0 : i32
      %dma_start3A_28 = tpu.memref_slice %arg10[%arg0, %multiple_of3A, %dma_start3A] : memref<2x10240x128xf32, #tpu.memory_space<hbm>> -> memref<1x640x128xf32, #tpu.memory_space<hbm>>
      %dma_start3A_29 = tpu.memref_squeeze %dma_start3A_28 : memref<1x640x128xf32, #tpu.memory_space<hbm>> -> memref<640x128xf32, #tpu.memory_space<hbm>>
      %dma_start3A_30 = arith.constant 0 : i32
      %dma_start3A_31 = tpu.memref_slice %arg16[%multiple_of3A, %dma_start3A_30] : memref<10240x128xf32, #tpu.memory_space<vmem_shared>> -> memref<640x128xf32, #tpu.memory_space<vmem_shared>>
      tpu.enqueue_dma source(%dma_start3A_31 : memref<640x128xf32, #tpu.memory_space<vmem_shared>>) target(%dma_start3A_29 : memref<640x128xf32, #tpu.memory_space<hbm>>) target_semaphore(%run_scoped3A : memref<!tpu.dma_semaphore, #tpu.memory_space<semaphore_mem>>)
      %dma_wait3A = arith.constant 0 : i32
      %dma_wait3A_32 = tpu.memref_slice %arg10[%arg0, %multiple_of3A, %dma_wait3A] : memref<2x10240x128xf32, #tpu.memory_space<hbm>> -> memref<1x640x128xf32, #tpu.memory_space<hbm>>
      %dma_wait3A_33 = tpu.memref_squeeze %dma_wait3A_32 : memref<1x640x128xf32, #tpu.memory_space<hbm>> -> memref<640x128xf32, #tpu.memory_space<hbm>>
      %dma_wait3A_34 = arith.constant 0 : i32
      %dma_wait3A_35 = tpu.memref_slice %arg16[%multiple_of3A, %dma_wait3A_34] : memref<10240x128xf32, #tpu.memory_space<vmem_shared>> -> memref<640x128xf32, #tpu.memory_space<vmem_shared>>
      tpu.wait_dma2 semaphore(%run_scoped3A : memref<!tpu.dma_semaphore, #tpu.memory_space<semaphore_mem>>) src(%dma_wait3A_35 : memref<640x128xf32, #tpu.memory_space<vmem_shared>>) dst(%dma_wait3A_33 : memref<640x128xf32, #tpu.memory_space<hbm>>)
      tpu.yield
    }) : () -> ()
    "tpu.region"() ({
      %run_scoped3A = tpu.sem_alloc : memref<!tpu.dma_semaphore, #tpu.memory_space<semaphore_mem>>
      %dma_start3A = arith.constant 0 : i32
      %dma_start3A_28 = tpu.memref_slice %arg16[%multiple_of3A, %dma_start3A] : memref<10240x128xf32, #tpu.memory_space<vmem_shared>> -> memref<640x128xf32, #tpu.memory_space<vmem_shared>>
      tpu.enqueue_dma source(%arg8 : memref<640x128xf32, #tpu.memory_space<hbm>>) target(%dma_start3A_28 : memref<640x128xf32, #tpu.memory_space<vmem_shared>>) target_semaphore(%run_scoped3A : memref<!tpu.dma_semaphore, #tpu.memory_space<semaphore_mem>>)
      %dma_wait3A = arith.constant 0 : i32
      %dma_wait3A_29 = tpu.memref_slice %arg16[%multiple_of3A, %dma_wait3A] : memref<10240x128xf32, #tpu.memory_space<vmem_shared>> -> memref<640x128xf32, #tpu.memory_space<vmem_shared>>
      tpu.wait_dma2 semaphore(%run_scoped3A : memref<!tpu.dma_semaphore, #tpu.memory_space<semaphore_mem>>) src(%arg8 : memref<640x128xf32, #tpu.memory_space<hbm>>) dst(%dma_wait3A_29 : memref<640x128xf32, #tpu.memory_space<vmem_shared>>)
      tpu.yield
    }) : () -> ()
    %barrier3A_20 = arith.constant 0 : index
    tpu.barrier barrier_id(%barrier3A_20)
    %scan3A_21 = arith.constant 0 : i32
    %scan3A_22 = arith.constant 0 : i32
    %scan3A_23 = arith.constant 5 : i32
    %scan3A_24 = arith.addi %scan3A_22, %scan3A_23 : i32
    %scan3A_25 = arith.constant 1 : i32
    scf.for %scan3A_28 = %scan3A_22 to %scan3A_24 step %scan3A_25  : i32 {
      %mul3A_29 = arith.constant 16 : i32
      %mul3A_30 = arith.muli %scan3A_28, %mul3A_29 : i32
      %add3A_31 = arith.addi %multiple_of3A_5, %mul3A_30 : i32
      %multiple_of3A_32 = tpu.assume_multiple %add3A_31, 8 : i32
      "tpu.region"() ({
        %run_scoped3A = tpu.sem_alloc : memref<!tpu.dma_semaphore, #tpu.memory_space<semaphore_mem>>
        %dma_start3A = arith.constant 0 : i32
        %dma_start3A_39 = tpu.memref_slice %arg6[%multiple_of3A_32, %dma_start3A] : memref<2560x128xi32, #tpu.memory_space<hbm>> -> memref<16x128xi32, #tpu.memory_space<hbm>>
        %dma_start3A_40 = arith.constant 0 : i32
        %dma_start3A_41 = tpu.memref_slice %arg6[%multiple_of3A_32, %dma_start3A_40] : memref<2560x128xi32, #tpu.memory_space<hbm>> -> memref<16x128xi32, #tpu.memory_space<hbm>>
        tpu.enqueue_dma source(%dma_start3A_41 : memref<16x128xi32, #tpu.memory_space<hbm>>) target(%arg12 : memref<16x128xi32, #tpu.memory_space<vmem>>) target_semaphore(%run_scoped3A : memref<!tpu.dma_semaphore, #tpu.memory_space<semaphore_mem>>)
        %dma_wait3A = arith.constant 0 : i32
        %dma_wait3A_42 = tpu.memref_slice %arg6[%multiple_of3A_32, %dma_wait3A] : memref<2560x128xi32, #tpu.memory_space<hbm>> -> memref<16x128xi32, #tpu.memory_space<hbm>>
        %dma_wait3A_43 = arith.constant 0 : i32
        %dma_wait3A_44 = tpu.memref_slice %arg6[%multiple_of3A_32, %dma_wait3A_43] : memref<2560x128xi32, #tpu.memory_space<hbm>> -> memref<16x128xi32, #tpu.memory_space<hbm>>
        tpu.wait_dma2 semaphore(%run_scoped3A : memref<!tpu.dma_semaphore, #tpu.memory_space<semaphore_mem>>) src(%dma_wait3A_44 : memref<16x128xi32, #tpu.memory_space<hbm>>) dst(%arg12 : memref<16x128xi32, #tpu.memory_space<vmem>>)
        tpu.yield
      }) : () -> ()
      "tpu.region"() ({
        %run_scoped3A = tpu.sem_alloc : memref<!tpu.dma_semaphore, #tpu.memory_space<semaphore_mem>>
        %dma_start3A = arith.constant 0 : i32
        %dma_start3A_39 = tpu.memref_slice %arg7[%multiple_of3A_32, %dma_start3A] : memref<2560x128xi32, #tpu.memory_space<hbm>> -> memref<16x128xi32, #tpu.memory_space<hbm>>
        %dma_start3A_40 = arith.constant 0 : i32
        %dma_start3A_41 = tpu.memref_slice %arg7[%multiple_of3A_32, %dma_start3A_40] : memref<2560x128xi32, #tpu.memory_space<hbm>> -> memref<16x128xi32, #tpu.memory_space<hbm>>
        tpu.enqueue_dma source(%dma_start3A_41 : memref<16x128xi32, #tpu.memory_space<hbm>>) target(%arg13 : memref<16x128xi32, #tpu.memory_space<vmem>>) target_semaphore(%run_scoped3A : memref<!tpu.dma_semaphore, #tpu.memory_space<semaphore_mem>>)
        %dma_wait3A = arith.constant 0 : i32
        %dma_wait3A_42 = tpu.memref_slice %arg7[%multiple_of3A_32, %dma_wait3A] : memref<2560x128xi32, #tpu.memory_space<hbm>> -> memref<16x128xi32, #tpu.memory_space<hbm>>
        %dma_wait3A_43 = arith.constant 0 : i32
        %dma_wait3A_44 = tpu.memref_slice %arg7[%multiple_of3A_32, %dma_wait3A_43] : memref<2560x128xi32, #tpu.memory_space<hbm>> -> memref<16x128xi32, #tpu.memory_space<hbm>>
        tpu.wait_dma2 semaphore(%run_scoped3A : memref<!tpu.dma_semaphore, #tpu.memory_space<semaphore_mem>>) src(%dma_wait3A_44 : memref<16x128xi32, #tpu.memory_space<hbm>>) dst(%arg13 : memref<16x128xi32, #tpu.memory_space<vmem>>)
        tpu.yield
      }) : () -> ()
      %scan3A_33 = arith.constant 0 : i32
      %scan3A_34 = arith.constant 0 : i32
      %scan3A_35 = arith.constant 16 : i32
      %scan3A_36 = arith.addi %scan3A_34, %scan3A_35 : i32
      %scan3A_37 = arith.constant 1 : i32
      scf.for %scan3A_39 = %scan3A_34 to %scan3A_36 step %scan3A_37  : i32 {
        %add3A_40 = arith.addi %multiple_of3A_32, %scan3A_39 : i32
        %mul3A_41 = arith.constant 128 : i32
        %mul3A_42 = arith.muli %add3A_40, %mul3A_41 : i32
        %multiple_of3A_43 = tpu.assume_multiple %mul3A_42, 8 : i32
        %dma_start3A = arith.constant 0 : i32
        %dma_start3A_44 = tpu.memref_slice %arg12[%scan3A_39, %dma_start3A] : memref<16x128xi32, #tpu.memory_space<vmem>> -> memref<1x128xi32, #tpu.memory_space<vmem>>
        %dma_start3A_45 = tpu.memref_squeeze %dma_start3A_44 : memref<1x128xi32, #tpu.memory_space<vmem>> -> memref<128xi32, #tpu.memory_space<vmem>>
        %dma_start3A_46 = arith.constant 0 : i32
        %dma_start3A_47 = arith.constant 0 : i32
        %dma_start3A_48 = tpu.memref_slice %arg4[%dma_start3A_46, %dma_start3A_47] : memref<10000x128xf32, #tpu.memory_space<hbm>> -> memref<10000x128xf32, #tpu.memory_space<hbm>>
        tpu.enqueue_indirect_dma source(%dma_start3A_48 : memref<10000x128xf32, #tpu.memory_space<hbm>>) target(%arg14 : memref<128x128xf32, #tpu.memory_space<vmem>>) offsets(%dma_start3A_45 : memref<128xi32, #tpu.memory_space<vmem>>) semaphore(%arg17 : memref<!tpu.dma_semaphore, #tpu.memory_space<semaphore_mem>>)
        %dma_start3A_49 = arith.constant 256 : i32
        %dma_start3A_50 = tpu.memref_slice %arg5[%multiple_of3A_43, %dma_start3A_49] : memref<327680x384xf32, #tpu.memory_space<hbm>> -> memref<128x128xf32, #tpu.memory_space<hbm>>
        %dma_start3A_51 = arith.constant 256 : i32
        %dma_start3A_52 = tpu.memref_slice %arg5[%multiple_of3A_43, %dma_start3A_51] : memref<327680x384xf32, #tpu.memory_space<hbm>> -> memref<128x128xf32, #tpu.memory_space<hbm>>
        tpu.enqueue_dma source(%dma_start3A_52 : memref<128x128xf32, #tpu.memory_space<hbm>>) target(%arg15 : memref<128x128xf32, #tpu.memory_space<vmem>>) target_semaphore(%arg18 : memref<!tpu.dma_semaphore, #tpu.memory_space<semaphore_mem>>)
        %dma_wait3A = arith.constant 0 : i32
        %dma_wait3A_53 = tpu.memref_slice %arg12[%scan3A_39, %dma_wait3A] : memref<16x128xi32, #tpu.memory_space<vmem>> -> memref<1x128xi32, #tpu.memory_space<vmem>>
        %dma_wait3A_54 = tpu.memref_squeeze %dma_wait3A_53 : memref<1x128xi32, #tpu.memory_space<vmem>> -> memref<128xi32, #tpu.memory_space<vmem>>
        %dma_wait3A_55 = arith.constant 0 : i32
        %dma_wait3A_56 = arith.constant 0 : i32
        %dma_wait3A_57 = tpu.memref_slice %arg4[%dma_wait3A_55, %dma_wait3A_56] : memref<10000x128xf32, #tpu.memory_space<hbm>> -> memref<10000x128xf32, #tpu.memory_space<hbm>>
        tpu.wait_indirect_dma semaphore(%arg17 : memref<!tpu.dma_semaphore, #tpu.memory_space<semaphore_mem>>) src(%dma_wait3A_57 : memref<10000x128xf32, #tpu.memory_space<hbm>>) dst(%arg14 : memref<128x128xf32, #tpu.memory_space<vmem>>)
        %dma_wait3A_58 = arith.constant 256 : i32
        %dma_wait3A_59 = tpu.memref_slice %arg5[%multiple_of3A_43, %dma_wait3A_58] : memref<327680x384xf32, #tpu.memory_space<hbm>> -> memref<128x128xf32, #tpu.memory_space<hbm>>
        %dma_wait3A_60 = arith.constant 256 : i32
        %dma_wait3A_61 = tpu.memref_slice %arg5[%multiple_of3A_43, %dma_wait3A_60] : memref<327680x384xf32, #tpu.memory_space<hbm>> -> memref<128x128xf32, #tpu.memory_space<hbm>>
        tpu.wait_dma2 semaphore(%arg18 : memref<!tpu.dma_semaphore, #tpu.memory_space<semaphore_mem>>) src(%dma_wait3A_61 : memref<128x128xf32, #tpu.memory_space<hbm>>) dst(%arg15 : memref<128x128xf32, #tpu.memory_space<vmem>>)
        %scan3A_62 = arith.constant 0 : i32
        %scan3A_63 = arith.constant 0 : i32
        %scan3A_64 = arith.constant 64 : i32
        %scan3A_65 = arith.addi %scan3A_63, %scan3A_64 : i32
        %scan3A_66 = arith.constant 1 : i32
        scf.for %scan3A_68 = %scan3A_63 to %scan3A_65 step %scan3A_66  : i32 {
          %mul3A_69 = arith.constant 2 : i32
          %mul3A_70 = arith.muli %mul3A_69, %scan3A_68 : i32
          %add3A_71 = arith.constant 0 : i32
          %add3A_72 = arith.addi %mul3A_70, %add3A_71 : i32
          %get3A = arith.index_cast %add3A_72 : i32 to index
          %get3A_73 = arith.constant 0 : index
          %get3A_74 = tpu.vector_load %arg14[%get3A, %get3A_73] {strides = array<i32>} : memref<128x128xf32, #tpu.memory_space<vmem>>, vector<1x16xf32>,
          %get3A_75 = vector.shape_cast %get3A_74 : vector<1x16xf32> to vector<16xf32>
          %get3A_76 = arith.index_cast %add3A_72 : i32 to index
          %get3A_77 = arith.constant 0 : index
          %get3A_78 = tpu.vector_load %arg15[%get3A_76, %get3A_77] {strides = array<i32>} : memref<128x128xf32, #tpu.memory_space<vmem>>, vector<1x16xf32>,
          %get3A_79 = vector.shape_cast %get3A_78 : vector<1x16xf32> to vector<16xf32>
          %add3A_80 = arith.addf %get3A_75, %get3A_79 : vector<16xf32>
          %max3A = arith.constant 0.000000e+00 : f32
          %max3A_81 = vector.broadcast %max3A : f32 to vector<16xf32>
          %max3A_82 = arith.maximumf %add3A_80, %max3A_81 : vector<16xf32>
          %swap3A = arith.index_cast %add3A_72 : i32 to index
          %swap3A_83 = arith.constant 0 : index
          %swap3A_84 = tpu.vector_load %arg14[%swap3A, %swap3A_83] {strides = array<i32>} : memref<128x128xf32, #tpu.memory_space<vmem>>, vector<1x16xf32>,
          %swap3A_85 = vector.shape_cast %swap3A_84 : vector<1x16xf32> to vector<16xf32>
          %swap3A_86 = vector.shape_cast %max3A_82 : vector<16xf32> to vector<1x16xf32>
          tpu.vector_store %arg14[%swap3A, %swap3A_83], %swap3A_86 {strides = array<i32>} : memref<128x128xf32, #tpu.memory_space<vmem>>, vector<1x16xf32>,
          %get3A_87 = arith.index_cast %add3A_72 : i32 to index
          %get3A_88 = arith.constant 16 : index
          %get3A_89 = tpu.vector_load %arg14[%get3A_87, %get3A_88] {strides = array<i32>} : memref<128x128xf32, #tpu.memory_space<vmem>>, vector<1x16xf32>,
          %get3A_90 = vector.shape_cast %get3A_89 : vector<1x16xf32> to vector<16xf32>
          %get3A_91 = arith.index_cast %add3A_72 : i32 to index
          %get3A_92 = arith.constant 16 : index
          %get3A_93 = tpu.vector_load %arg15[%get3A_91, %get3A_92] {strides = array<i32>} : memref<128x128xf32, #tpu.memory_space<vmem>>, vector<1x16xf32>,
          %get3A_94 = vector.shape_cast %get3A_93 : vector<1x16xf32> to vector<16xf32>
          %add3A_95 = arith.addf %get3A_90, %get3A_94 : vector<16xf32>
          %max3A_96 = arith.constant 0.000000e+00 : f32
          %max3A_97 = vector.broadcast %max3A_96 : f32 to vector<16xf32>
          %max3A_98 = arith.maximumf %add3A_95, %max3A_97 : vector<16xf32>
          %swap3A_99 = arith.index_cast %add3A_72 : i32 to index
          %swap3A_100 = arith.constant 16 : index
          %swap3A_101 = tpu.vector_load %arg14[%swap3A_99, %swap3A_100] {strides = array<i32>} : memref<128x128xf32, #tpu.memory_space<vmem>>, vector<1x16xf32>,
          %swap3A_102 = vector.shape_cast %swap3A_101 : vector<1x16xf32> to vector<16xf32>
          %swap3A_103 = vector.shape_cast %max3A_98 : vector<16xf32> to vector<1x16xf32>
          tpu.vector_store %arg14[%swap3A_99, %swap3A_100], %swap3A_103 {strides = array<i32>} : memref<128x128xf32, #tpu.memory_space<vmem>>, vector<1x16xf32>,
          %mul3A_104 = arith.constant 2 : i32
          %mul3A_105 = arith.muli %mul3A_104, %scan3A_68 : i32
          %add3A_106 = arith.constant 1 : i32
          %add3A_107 = arith.addi %mul3A_105, %add3A_106 : i32
          %get3A_108 = arith.index_cast %add3A_107 : i32 to index
          %get3A_109 = arith.constant 0 : index
          %get3A_110 = tpu.vector_load %arg14[%get3A_108, %get3A_109] {strides = array<i32>} : memref<128x128xf32, #tpu.memory_space<vmem>>, vector<1x16xf32>,
          %get3A_111 = vector.shape_cast %get3A_110 : vector<1x16xf32> to vector<16xf32>
          %get3A_112 = arith.index_cast %add3A_107 : i32 to index
          %get3A_113 = arith.constant 0 : index
          %get3A_114 = tpu.vector_load %arg15[%get3A_112, %get3A_113] {strides = array<i32>} : memref<128x128xf32, #tpu.memory_space<vmem>>, vector<1x16xf32>,
          %get3A_115 = vector.shape_cast %get3A_114 : vector<1x16xf32> to vector<16xf32>
          %add3A_116 = arith.addf %get3A_111, %get3A_115 : vector<16xf32>
          %max3A_117 = arith.constant 0.000000e+00 : f32
          %max3A_118 = vector.broadcast %max3A_117 : f32 to vector<16xf32>
          %max3A_119 = arith.maximumf %add3A_116, %max3A_118 : vector<16xf32>
          %swap3A_120 = arith.index_cast %add3A_107 : i32 to index
          %swap3A_121 = arith.constant 0 : index
          %swap3A_122 = tpu.vector_load %arg14[%swap3A_120, %swap3A_121] {strides = array<i32>} : memref<128x128xf32, #tpu.memory_space<vmem>>, vector<1x16xf32>,
          %swap3A_123 = vector.shape_cast %swap3A_122 : vector<1x16xf32> to vector<16xf32>
          %swap3A_124 = vector.shape_cast %max3A_119 : vector<16xf32> to vector<1x16xf32>
          tpu.vector_store %arg14[%swap3A_120, %swap3A_121], %swap3A_124 {strides = array<i32>} : memref<128x128xf32, #tpu.memory_space<vmem>>, vector<1x16xf32>,
          %get3A_125 = arith.index_cast %add3A_107 : i32 to index
          %get3A_126 = arith.constant 16 : index
          %get3A_127 = tpu.vector_load %arg14[%get3A_125, %get3A_126] {strides = array<i32>} : memref<128x128xf32, #tpu.memory_space<vmem>>, vector<1x16xf32>,
          %get3A_128 = vector.shape_cast %get3A_127 : vector<1x16xf32> to vector<16xf32>
          %get3A_129 = arith.index_cast %add3A_107 : i32 to index
          %get3A_130 = arith.constant 16 : index
          %get3A_131 = tpu.vector_load %arg15[%get3A_129, %get3A_130] {strides = array<i32>} : memref<128x128xf32, #tpu.memory_space<vmem>>, vector<1x16xf32>,
          %get3A_132 = vector.shape_cast %get3A_131 : vector<1x16xf32> to vector<16xf32>
          %add3A_133 = arith.addf %get3A_128, %get3A_132 : vector<16xf32>
          %max3A_134 = arith.constant 0.000000e+00 : f32
          %max3A_135 = vector.broadcast %max3A_134 : f32 to vector<16xf32>
          %max3A_136 = arith.maximumf %add3A_133, %max3A_135 : vector<16xf32>
          %swap3A_137 = arith.index_cast %add3A_107 : i32 to index
          %swap3A_138 = arith.constant 16 : index
          %swap3A_139 = tpu.vector_load %arg14[%swap3A_137, %swap3A_138] {strides = array<i32>} : memref<128x128xf32, #tpu.memory_space<vmem>>, vector<1x16xf32>,
          %swap3A_140 = vector.shape_cast %swap3A_139 : vector<1x16xf32> to vector<16xf32>
          %swap3A_141 = vector.shape_cast %max3A_136 : vector<16xf32> to vector<1x16xf32>
          tpu.vector_store %arg14[%swap3A_137, %swap3A_138], %swap3A_141 {strides = array<i32>} : memref<128x128xf32, #tpu.memory_space<vmem>>, vector<1x16xf32>,
        }
        %scan3A_67 = arith.constant 64 : i32
        "tpu.region"() ({
          %run_scoped3A = tpu.sem_alloc : memref<!tpu.dma_semaphore, #tpu.memory_space<semaphore_mem>>
          %dma_start3A_68 = arith.constant 0 : i32
          %dma_start3A_69 = tpu.memref_slice %arg13[%scan3A_39, %dma_start3A_68] : memref<16x128xi32, #tpu.memory_space<vmem>> -> memref<1x128xi32, #tpu.memory_space<vmem>>
          %dma_start3A_70 = tpu.memref_squeeze %dma_start3A_69 : memref<1x128xi32, #tpu.memory_space<vmem>> -> memref<128xi32, #tpu.memory_space<vmem>>
          %dma_start3A_71 = arith.constant 0 : i32
          %dma_start3A_72 = arith.constant 0 : i32
          %dma_start3A_73 = tpu.memref_slice %arg16[%dma_start3A_71, %dma_start3A_72] : memref<10240x128xf32, #tpu.memory_space<vmem_shared>> -> memref<10240x128xf32, #tpu.memory_space<vmem_shared>>
          tpu.enqueue_indirect_dma source(%arg14 : memref<128x128xf32, #tpu.memory_space<vmem>>) target(%dma_start3A_73 : memref<10240x128xf32, #tpu.memory_space<vmem_shared>>) offsets(%dma_start3A_70 : memref<128xi32, #tpu.memory_space<vmem>>) semaphore(%run_scoped3A : memref<!tpu.dma_semaphore, #tpu.memory_space<semaphore_mem>>) {add = true}
          %dma_wait3A_74 = arith.constant 0 : i32
          %dma_wait3A_75 = tpu.memref_slice %arg13[%scan3A_39, %dma_wait3A_74] : memref<16x128xi32, #tpu.memory_space<vmem>> -> memref<1x128xi32, #tpu.memory_space<vmem>>
          %dma_wait3A_76 = tpu.memref_squeeze %dma_wait3A_75 : memref<1x128xi32, #tpu.memory_space<vmem>> -> memref<128xi32, #tpu.memory_space<vmem>>
          %dma_wait3A_77 = arith.constant 0 : i32
          %dma_wait3A_78 = arith.constant 0 : i32
          %dma_wait3A_79 = tpu.memref_slice %arg16[%dma_wait3A_77, %dma_wait3A_78] : memref<10240x128xf32, #tpu.memory_space<vmem_shared>> -> memref<10240x128xf32, #tpu.memory_space<vmem_shared>>
          tpu.wait_indirect_dma semaphore(%run_scoped3A : memref<!tpu.dma_semaphore, #tpu.memory_space<semaphore_mem>>) src(%arg14 : memref<128x128xf32, #tpu.memory_space<vmem>>) dst(%dma_wait3A_79 : memref<10240x128xf32, #tpu.memory_space<vmem_shared>>)
          tpu.yield
        }) : () -> ()
      }
      %scan3A_38 = arith.constant 16 : i32
    }
    %scan3A_26 = arith.constant 5 : i32
    %barrier3A_27 = arith.constant 0 : index
    tpu.barrier barrier_id(%barrier3A_27)
    "tpu.region"() ({
      %run_scoped3A = tpu.sem_alloc : memref<!tpu.dma_semaphore, #tpu.memory_space<semaphore_mem>>
      %dma_start3A = arith.constant 0 : i32
      %dma_start3A_28 = tpu.memref_slice %arg11[%arg0, %multiple_of3A, %dma_start3A] : memref<2x10240x128xf32, #tpu.memory_space<hbm>> -> memref<1x640x128xf32, #tpu.memory_space<hbm>>
      %dma_start3A_29 = tpu.memref_squeeze %dma_start3A_28 : memref<1x640x128xf32, #tpu.memory_space<hbm>> -> memref<640x128xf32, #tpu.memory_space<hbm>>
      %dma_start3A_30 = arith.constant 0 : i32
      %dma_start3A_31 = tpu.memref_slice %arg16[%multiple_of3A, %dma_start3A_30] : memref<10240x128xf32, #tpu.memory_space<vmem_shared>> -> memref<640x128xf32, #tpu.memory_space<vmem_shared>>
      tpu.enqueue_dma source(%dma_start3A_31 : memref<640x128xf32, #tpu.memory_space<vmem_shared>>) target(%dma_start3A_29 : memref<640x128xf32, #tpu.memory_space<hbm>>) target_semaphore(%run_scoped3A : memref<!tpu.dma_semaphore, #tpu.memory_space<semaphore_mem>>)
      %dma_wait3A = arith.constant 0 : i32
      %dma_wait3A_32 = tpu.memref_slice %arg11[%arg0, %multiple_of3A, %dma_wait3A] : memref<2x10240x128xf32, #tpu.memory_space<hbm>> -> memref<1x640x128xf32, #tpu.memory_space<hbm>>
      %dma_wait3A_33 = tpu.memref_squeeze %dma_wait3A_32 : memref<1x640x128xf32, #tpu.memory_space<hbm>> -> memref<640x128xf32, #tpu.memory_space<hbm>>
      %dma_wait3A_34 = arith.constant 0 : i32
      %dma_wait3A_35 = tpu.memref_slice %arg16[%multiple_of3A, %dma_wait3A_34] : memref<10240x128xf32, #tpu.memory_space<vmem_shared>> -> memref<640x128xf32, #tpu.memory_space<vmem_shared>>
      tpu.wait_dma2 semaphore(%run_scoped3A : memref<!tpu.dma_semaphore, #tpu.memory_space<semaphore_mem>>) src(%dma_wait3A_35 : memref<640x128xf32, #tpu.memory_space<vmem_shared>>) dst(%dma_wait3A_33 : memref<640x128xf32, #tpu.memory_space<hbm>>)
      tpu.yield
    }) : () -> ()
    return
  }
}

module attributes {stable_mosaic.version = 14 : i64} {
  func.func @_ew_body(%arg0: i32, %arg1: memref<8192x16xf32, #tpu.memory_space<vmem>>, %arg2: memref<16x384xf32, #tpu.memory_space<vmem>>, %arg3: memref<8192x384xf32, #tpu.memory_space<vmem>>) attributes {dimension_semantics = [#tpu.dimension_semantics<arbitrary>], iteration_bounds = array<i64: 39>, scalar_prefetch = 0 : i64, scratch_operands = 0 : i64, tpu.core_type = #tpu.core_type<tc>, window_params = [{transform_indices = @transform_0, window_bounds = array<i64: 8192, 16>}, {pipeline_mode = #tpu.pipeline_mode<synchronous>, transform_indices = @transform_1, window_bounds = array<i64: 16, 384>}, {transform_indices = @transform_2, window_bounds = array<i64: 8192, 384>}]} {
    %get3A = arith.constant 0 : index
    %get3A_0 = arith.constant 0 : index
    %get3A_1 = vector.load %arg1[%get3A, %get3A_0] : memref<8192x16xf32, #tpu.memory_space<vmem>>, vector<8192x16xf32>
    %get3A_2 = arith.constant 0 : index
    %get3A_3 = arith.constant 0 : index
    %get3A_4 = vector.load %arg2[%get3A_2, %get3A_3] : memref<16x384xf32, #tpu.memory_space<vmem>>, vector<16x384xf32>
    %dot_general3A = arith.constant dense<0.000000e+00> : vector<8192x384xf32>
    %dot_general3A_5 = tpu.matmul %get3A_1, %get3A_4, %dot_general3A {dimension_numbers = #tpu.dot_dimension_numbers<[1], [0], [0], [1], [0, 0, 1, 1], [], []>, transpose_lhs_hint = false} : vector<8192x16xf32>, vector<16x384xf32>, vector<8192x384xf32> -> vector<8192x384xf32>
    %swap3A = arith.constant 0 : index
    %swap3A_6 = arith.constant 0 : index
    %swap3A_7 = vector.load %arg3[%swap3A, %swap3A_6] : memref<8192x384xf32, #tpu.memory_space<vmem>>, vector<8192x384xf32>
    tpu.vector_store %arg3[%swap3A, %swap3A_6], %dot_general3A_5 {strides = array<i32>} : memref<8192x384xf32, #tpu.memory_space<vmem>>, vector<8192x384xf32>,
    return
  }
  func.func @transform_0(%arg0: i32) -> (i32, i32) {
    %c0_i32 = arith.constant 0 : i32
    %c0_i32_0 = arith.constant 0 : i32
    return %arg0, %c0_i32 : i32, i32
  }
  func.func @transform_1(%arg0: i32) -> (i32, i32) {
    %c0_i32 = arith.constant 0 : i32
    %c0_i32_0 = arith.constant 0 : i32
    %c0_i32_1 = arith.constant 0 : i32
    return %c0_i32, %c0_i32_0 : i32, i32
  }
  func.func @transform_2(%arg0: i32) -> (i32, i32) {
    %c0_i32 = arith.constant 0 : i32
    %c0_i32_0 = arith.constant 0 : i32
    return %arg0, %c0_i32 : i32, i32
  }
}

module attributes {stable_mosaic.version = 14 : i64} {
  func.func @_xw_body(%arg0: i32, %arg1: memref<1000x128xf32, #tpu.memory_space<vmem>>, %arg2: memref<128x288xf32, #tpu.memory_space<vmem>>, %arg3: memref<1x288xf32, #tpu.memory_space<vmem>>, %arg4: memref<1000x128xf32, #tpu.memory_space<vmem>>, %arg5: memref<1000x128xf32, #tpu.memory_space<vmem>>, %arg6: memref<1000x128xf32, #tpu.memory_space<vmem>>) attributes {dimension_semantics = [#tpu.dimension_semantics<arbitrary>], iteration_bounds = array<i64: 10>, scalar_prefetch = 0 : i64, scratch_operands = 0 : i64, tpu.core_type = #tpu.core_type<tc>, window_params = [{transform_indices = @transform_0, window_bounds = array<i64: 1000, 128>}, {pipeline_mode = #tpu.pipeline_mode<synchronous>, transform_indices = @transform_1, window_bounds = array<i64: 128, 288>}, {pipeline_mode = #tpu.pipeline_mode<synchronous>, transform_indices = @transform_2, window_bounds = array<i64: 1, 288>}, {transform_indices = @transform_3, window_bounds = array<i64: 1000, 128>}, {transform_indices = @transform_4, window_bounds = array<i64: 1000, 128>}, {transform_indices = @transform_5, window_bounds = array<i64: 1000, 128>}]} {
    %get3A = arith.constant 0 : index
    %get3A_0 = arith.constant 0 : index
    %get3A_1 = vector.load %arg1[%get3A, %get3A_0] : memref<1000x128xf32, #tpu.memory_space<vmem>>, vector<1000x128xf32>
    %get3A_2 = arith.constant 0 : index
    %get3A_3 = arith.constant 0 : index
    %get3A_4 = vector.load %arg2[%get3A_2, %get3A_3] : memref<128x288xf32, #tpu.memory_space<vmem>>, vector<128x288xf32>
    %dot_general3A = arith.constant dense<0.000000e+00> : vector<1000x288xf32>
    %dot_general3A_5 = tpu.matmul %get3A_1, %get3A_4, %dot_general3A {dimension_numbers = #tpu.dot_dimension_numbers<[1], [0], [0], [1], [0, 0, 1, 1], [], []>, transpose_lhs_hint = false} : vector<1000x128xf32>, vector<128x288xf32>, vector<1000x288xf32> -> vector<1000x288xf32>
    %get3A_6 = arith.constant 0 : index
    %get3A_7 = arith.constant 0 : index
    %get3A_8 = vector.load %arg3[%get3A_6, %get3A_7] : memref<1x288xf32, #tpu.memory_space<vmem>>, vector<1x288xf32>
    %add3A = vector.broadcast %get3A_8 : vector<1x288xf32> to vector<1000x288xf32>
    %add3A_9 = arith.addf %dot_general3A_5, %add3A : vector<1000x288xf32>
    %slice3A = vector.extract_strided_slice %add3A_9 {offsets = [0, 0], sizes = [1000, 128], strides = [1, 1]} : vector<1000x288xf32> to vector<1000x128xf32>
    %swap3A = arith.constant 0 : index
    %swap3A_10 = arith.constant 0 : index
    %swap3A_11 = vector.load %arg4[%swap3A, %swap3A_10] : memref<1000x128xf32, #tpu.memory_space<vmem>>, vector<1000x128xf32>
    tpu.vector_store %arg4[%swap3A, %swap3A_10], %slice3A {strides = array<i32>} : memref<1000x128xf32, #tpu.memory_space<vmem>>, vector<1000x128xf32>,
    %slice3A_12 = vector.extract_strided_slice %add3A_9 {offsets = [0, 128], sizes = [1000, 128], strides = [1, 1]} : vector<1000x288xf32> to vector<1000x128xf32>
    %swap3A_13 = arith.constant 0 : index
    %swap3A_14 = arith.constant 0 : index
    %swap3A_15 = vector.load %arg5[%swap3A_13, %swap3A_14] : memref<1000x128xf32, #tpu.memory_space<vmem>>, vector<1000x128xf32>
    tpu.vector_store %arg5[%swap3A_13, %swap3A_14], %slice3A_12 {strides = array<i32>} : memref<1000x128xf32, #tpu.memory_space<vmem>>, vector<1000x128xf32>,
    %slice3A_16 = vector.extract_strided_slice %add3A_9 {offsets = [0, 256], sizes = [1000, 32], strides = [1, 1]} : vector<1000x288xf32> to vector<1000x32xf32>
    %broadcast_in_dim3A = arith.constant 1.000000e+00 : f32
    %broadcast_in_dim3A_17 = vector.broadcast %broadcast_in_dim3A : f32 to vector<1000x1xf32>
    %broadcast_in_dim3A_18 = arith.constant 0.000000e+00 : f32
    %broadcast_in_dim3A_19 = vector.broadcast %broadcast_in_dim3A_18 : f32 to vector<1000x95xf32>
    %concatenate3A = tpu.concatenate %slice3A_16, %broadcast_in_dim3A_17, %broadcast_in_dim3A_19 in 1 : vector<1000x32xf32>, vector<1000x1xf32>, vector<1000x95xf32> -> vector<1000x128xf32>
    %swap3A_20 = arith.constant 0 : index
    %swap3A_21 = arith.constant 0 : index
    %swap3A_22 = vector.load %arg6[%swap3A_20, %swap3A_21] : memref<1000x128xf32, #tpu.memory_space<vmem>>, vector<1000x128xf32>
    tpu.vector_store %arg6[%swap3A_20, %swap3A_21], %concatenate3A {strides = array<i32>} : memref<1000x128xf32, #tpu.memory_space<vmem>>, vector<1000x128xf32>,
    return
  }
  func.func @transform_0(%arg0: i32) -> (i32, i32) {
    %c0_i32 = arith.constant 0 : i32
    %c0_i32_0 = arith.constant 0 : i32
    return %arg0, %c0_i32 : i32, i32
  }
  func.func @transform_1(%arg0: i32) -> (i32, i32) {
    %c0_i32 = arith.constant 0 : i32
    %c0_i32_0 = arith.constant 0 : i32
    %c0_i32_1 = arith.constant 0 : i32
    return %c0_i32, %c0_i32_0 : i32, i32
  }
  func.func @transform_2(%arg0: i32) -> (i32, i32) {
    %c0_i32 = arith.constant 0 : i32
    %c0_i32_0 = arith.constant 0 : i32
    %c0_i32_1 = arith.constant 0 : i32
    return %c0_i32, %c0_i32_0 : i32, i32
  }
  func.func @transform_3(%arg0: i32) -> (i32, i32) {
    %c0_i32 = arith.constant 0 : i32
    %c0_i32_0 = arith.constant 0 : i32
    return %arg0, %c0_i32 : i32, i32
  }
  func.func @transform_4(%arg0: i32) -> (i32, i32) {
    %c0_i32 = arith.constant 0 : i32
    %c0_i32_0 = arith.constant 0 : i32
    return %arg0, %c0_i32 : i32, i32
  }
  func.func @transform_5(%arg0: i32) -> (i32, i32) {
    %c0_i32 = arith.constant 0 : i32
    %c0_i32_0 = arith.constant 0 : i32
    return %arg0, %c0_i32 : i32, i32
  }
}

module attributes {stable_mosaic.version = 14 : i64} {
  func.func @_node_body(%arg0: i32, %arg1: memref<1000x128xf32, #tpu.memory_space<vmem>>, %arg2: memref<1x1000x128xf32, #tpu.memory_space<vmem>>, %arg3: memref<1x1000x128xf32, #tpu.memory_space<vmem>>, %arg4: memref<1x1000x128xf32, #tpu.memory_space<vmem>>, %arg5: memref<1x1000x128xf32, #tpu.memory_space<vmem>>, %arg6: memref<1x1000x128xf32, #tpu.memory_space<vmem>>, %arg7: memref<1x1000x128xf32, #tpu.memory_space<vmem>>, %arg8: memref<128x288xf32, #tpu.memory_space<vmem>>, %arg9: memref<128x288xf32, #tpu.memory_space<vmem>>, %arg10: memref<32x288xf32, #tpu.memory_space<vmem>>, %arg11: memref<1x288xf32, #tpu.memory_space<vmem>>, %arg12: memref<128x144xf32, #tpu.memory_space<vmem>>, %arg13: memref<288x144xf32, #tpu.memory_space<vmem>>, %arg14: memref<1x144xf32, #tpu.memory_space<vmem>>, %arg15: memref<144x128xf32, #tpu.memory_space<vmem>>, %arg16: memref<1x128xf32, #tpu.memory_space<vmem>>, %arg17: memref<1000x128xf32, #tpu.memory_space<vmem>>) attributes {dimension_semantics = [#tpu.dimension_semantics<arbitrary>], iteration_bounds = array<i64: 10>, scalar_prefetch = 0 : i64, scratch_operands = 0 : i64, tpu.core_type = #tpu.core_type<tc>, window_params = [{transform_indices = @transform_0, window_bounds = array<i64: 1000, 128>}, {transform_indices = @transform_1, window_bounds = array<i64: 1, 1000, 128>}, {transform_indices = @transform_2, window_bounds = array<i64: 1, 1000, 128>}, {transform_indices = @transform_3, window_bounds = array<i64: 1, 1000, 128>}, {transform_indices = @transform_4, window_bounds = array<i64: 1, 1000, 128>}, {transform_indices = @transform_5, window_bounds = array<i64: 1, 1000, 128>}, {transform_indices = @transform_6, window_bounds = array<i64: 1, 1000, 128>}, {pipeline_mode = #tpu.pipeline_mode<synchronous>, transform_indices = @transform_7, window_bounds = array<i64: 128, 288>}, {pipeline_mode = #tpu.pipeline_mode<synchronous>, transform_indices = @transform_8, window_bounds = array<i64: 128, 288>}, {pipeline_mode = #tpu.pipeline_mode<synchronous>, transform_indices = @transform_9, window_bounds = array<i64: 32, 288>}, {pipeline_mode = #tpu.pipeline_mode<synchronous>, transform_indices = @transform_10, window_bounds = array<i64: 1, 288>}, {pipeline_mode = #tpu.pipeline_mode<synchronous>, transform_indices = @transform_11, window_bounds = array<i64: 128, 144>}, {pipeline_mode = #tpu.pipeline_mode<synchronous>, transform_indices = @transform_12, window_bounds = array<i64: 288, 144>}, {pipeline_mode = #tpu.pipeline_mode<synchronous>, transform_indices = @transform_13, window_bounds = array<i64: 1, 144>}, {pipeline_mode = #tpu.pipeline_mode<synchronous>, transform_indices = @transform_14, window_bounds = array<i64: 144, 128>}, {pipeline_mode = #tpu.pipeline_mode<synchronous>, transform_indices = @transform_15, window_bounds = array<i64: 1, 128>}, {transform_indices = @transform_16, window_bounds = array<i64: 1000, 128>}]} {
    %get3A = arith.constant 0 : index
    %get3A_0 = arith.constant 0 : index
    %get3A_1 = arith.constant 0 : index
    %get3A_2 = vector.load %arg2[%get3A, %get3A_0, %get3A_1] : memref<1x1000x128xf32, #tpu.memory_space<vmem>>, vector<1x1000x128xf32>
    %get3A_3 = vector.shape_cast %get3A_2 : vector<1x1000x128xf32> to vector<1000x128xf32>
    %get3A_4 = arith.constant 0 : index
    %get3A_5 = arith.constant 0 : index
    %get3A_6 = arith.constant 0 : index
    %get3A_7 = vector.load %arg3[%get3A_4, %get3A_5, %get3A_6] : memref<1x1000x128xf32, #tpu.memory_space<vmem>>, vector<1x1000x128xf32>
    %get3A_8 = vector.shape_cast %get3A_7 : vector<1x1000x128xf32> to vector<1000x128xf32>
    %add3A = arith.addf %get3A_3, %get3A_8 : vector<1000x128xf32>
    %get3A_9 = arith.constant 0 : index
    %get3A_10 = arith.constant 0 : index
    %get3A_11 = arith.constant 0 : index
    %get3A_12 = vector.load %arg4[%get3A_9, %get3A_10, %get3A_11] : memref<1x1000x128xf32, #tpu.memory_space<vmem>>, vector<1x1000x128xf32>
    %get3A_13 = vector.shape_cast %get3A_12 : vector<1x1000x128xf32> to vector<1000x128xf32>
    %get3A_14 = arith.constant 0 : index
    %get3A_15 = arith.constant 0 : index
    %get3A_16 = arith.constant 0 : index
    %get3A_17 = vector.load %arg5[%get3A_14, %get3A_15, %get3A_16] : memref<1x1000x128xf32, #tpu.memory_space<vmem>>, vector<1x1000x128xf32>
    %get3A_18 = vector.shape_cast %get3A_17 : vector<1x1000x128xf32> to vector<1000x128xf32>
    %add3A_19 = arith.addf %get3A_13, %get3A_18 : vector<1000x128xf32>
    %get3A_20 = arith.constant 0 : index
    %get3A_21 = arith.constant 0 : index
    %get3A_22 = arith.constant 0 : index
    %get3A_23 = vector.load %arg6[%get3A_20, %get3A_21, %get3A_22] : memref<1x1000x128xf32, #tpu.memory_space<vmem>>, vector<1x1000x128xf32>
    %get3A_24 = vector.shape_cast %get3A_23 : vector<1x1000x128xf32> to vector<1000x128xf32>
    %get3A_25 = arith.constant 0 : index
    %get3A_26 = arith.constant 0 : index
    %get3A_27 = arith.constant 0 : index
    %get3A_28 = vector.load %arg7[%get3A_25, %get3A_26, %get3A_27] : memref<1x1000x128xf32, #tpu.memory_space<vmem>>, vector<1x1000x128xf32>
    %get3A_29 = vector.shape_cast %get3A_28 : vector<1x1000x128xf32> to vector<1000x128xf32>
    %add3A_30 = arith.addf %get3A_24, %get3A_29 : vector<1000x128xf32>
    %slice3A = vector.extract_strided_slice %add3A_30 {offsets = [0, 32], sizes = [1000, 1], strides = [1, 1]} : vector<1000x128xf32> to vector<1000x1xf32>
    %max3A = arith.constant 1.000000e+00 : f32
    %max3A_31 = vector.broadcast %max3A : f32 to vector<1000x1xf32>
    %max3A_32 = arith.maximumf %slice3A, %max3A_31 : vector<1000x1xf32>
    %div3A = arith.constant 1.000000e+00 : f32
    %div3A_33 = vector.broadcast %div3A : f32 to vector<1000x1xf32>
    %div3A_34 = arith.divf %div3A_33, %max3A_32 : vector<1000x1xf32>
    %min3A = arith.constant 1.000000e+00 : f32
    %min3A_35 = vector.broadcast %min3A : f32 to vector<1000x1xf32>
    %min3A_36 = arith.minimumf %slice3A, %min3A_35 : vector<1000x1xf32>
    %mul3A = vector.broadcast %div3A_34 : vector<1000x1xf32> to vector<1000x128xf32>
    %mul3A_37 = arith.mulf %add3A, %mul3A : vector<1000x128xf32>
    %get3A_38 = arith.constant 0 : index
    %get3A_39 = arith.constant 0 : index
    %get3A_40 = vector.load %arg8[%get3A_38, %get3A_39] : memref<128x288xf32, #tpu.memory_space<vmem>>, vector<128x288xf32>
    %dot_general3A = arith.constant dense<0.000000e+00> : vector<1000x288xf32>
    %dot_general3A_41 = tpu.matmul %mul3A_37, %get3A_40, %dot_general3A {dimension_numbers = #tpu.dot_dimension_numbers<[1], [0], [0], [1], [0, 0, 1, 1], [], []>, transpose_lhs_hint = false} : vector<1000x128xf32>, vector<128x288xf32>, vector<1000x288xf32> -> vector<1000x288xf32>
    %mul3A_42 = vector.broadcast %div3A_34 : vector<1000x1xf32> to vector<1000x128xf32>
    %mul3A_43 = arith.mulf %add3A_19, %mul3A_42 : vector<1000x128xf32>
    %get3A_44 = arith.constant 0 : index
    %get3A_45 = arith.constant 0 : index
    %get3A_46 = vector.load %arg9[%get3A_44, %get3A_45] : memref<128x288xf32, #tpu.memory_space<vmem>>, vector<128x288xf32>
    %dot_general3A_47 = arith.constant dense<0.000000e+00> : vector<1000x288xf32>
    %dot_general3A_48 = tpu.matmul %mul3A_43, %get3A_46, %dot_general3A_47 {dimension_numbers = #tpu.dot_dimension_numbers<[1], [0], [0], [1], [0, 0, 1, 1], [], []>, transpose_lhs_hint = false} : vector<1000x128xf32>, vector<128x288xf32>, vector<1000x288xf32> -> vector<1000x288xf32>
    %add3A_49 = arith.addf %dot_general3A_41, %dot_general3A_48 : vector<1000x288xf32>
    %slice3A_50 = vector.extract_strided_slice %add3A_30 {offsets = [0, 0], sizes = [1000, 32], strides = [1, 1]} : vector<1000x128xf32> to vector<1000x32xf32>
    %mul3A_51 = vector.broadcast %div3A_34 : vector<1000x1xf32> to vector<1000x32xf32>
    %mul3A_52 = arith.mulf %slice3A_50, %mul3A_51 : vector<1000x32xf32>
    %get3A_53 = arith.constant 0 : index
    %get3A_54 = arith.constant 0 : index
    %get3A_55 = vector.load %arg10[%get3A_53, %get3A_54] : memref<32x288xf32, #tpu.memory_space<vmem>>, vector<32x288xf32>
    %dot_general3A_56 = arith.constant dense<0.000000e+00> : vector<1000x288xf32>
    %dot_general3A_57 = tpu.matmul %mul3A_52, %get3A_55, %dot_general3A_56 {dimension_numbers = #tpu.dot_dimension_numbers<[1], [0], [0], [1], [0, 0, 1, 1], [], []>, transpose_lhs_hint = false} : vector<1000x32xf32>, vector<32x288xf32>, vector<1000x288xf32> -> vector<1000x288xf32>
    %add3A_58 = arith.addf %add3A_49, %dot_general3A_57 : vector<1000x288xf32>
    %get3A_59 = arith.constant 0 : index
    %get3A_60 = arith.constant 0 : index
    %get3A_61 = vector.load %arg11[%get3A_59, %get3A_60] : memref<1x288xf32, #tpu.memory_space<vmem>>, vector<1x288xf32>
    %mul3A_62 = vector.broadcast %min3A_36 : vector<1000x1xf32> to vector<1000x288xf32>
    %mul3A_63 = vector.broadcast %get3A_61 : vector<1x288xf32> to vector<1000x288xf32>
    %mul3A_64 = arith.mulf %mul3A_62, %mul3A_63 : vector<1000x288xf32>
    %add3A_65 = arith.addf %add3A_58, %mul3A_64 : vector<1000x288xf32>
    %get3A_66 = arith.constant 0 : index
    %get3A_67 = arith.constant 0 : index
    %get3A_68 = vector.load %arg1[%get3A_66, %get3A_67] : memref<1000x128xf32, #tpu.memory_space<vmem>>, vector<1000x128xf32>
    %get3A_69 = arith.constant 0 : index
    %get3A_70 = arith.constant 0 : index
    %get3A_71 = vector.load %arg12[%get3A_69, %get3A_70] : memref<128x144xf32, #tpu.memory_space<vmem>>, vector<128x144xf32>
    %dot_general3A_72 = arith.constant dense<0.000000e+00> : vector<1000x144xf32>
    %dot_general3A_73 = tpu.matmul %get3A_68, %get3A_71, %dot_general3A_72 {dimension_numbers = #tpu.dot_dimension_numbers<[1], [0], [0], [1], [0, 0, 1, 1], [], []>, transpose_lhs_hint = false} : vector<1000x128xf32>, vector<128x144xf32>, vector<1000x144xf32> -> vector<1000x144xf32>
    %get3A_74 = arith.constant 0 : index
    %get3A_75 = arith.constant 0 : index
    %get3A_76 = vector.load %arg13[%get3A_74, %get3A_75] : memref<288x144xf32, #tpu.memory_space<vmem>>, vector<288x144xf32>
    %dot_general3A_77 = arith.constant dense<0.000000e+00> : vector<1000x144xf32>
    %dot_general3A_78 = tpu.matmul %add3A_65, %get3A_76, %dot_general3A_77 {dimension_numbers = #tpu.dot_dimension_numbers<[1], [0], [0], [1], [0, 0, 1, 1], [], []>, transpose_lhs_hint = false} : vector<1000x288xf32>, vector<288x144xf32>, vector<1000x144xf32> -> vector<1000x144xf32>
    %add3A_79 = arith.addf %dot_general3A_73, %dot_general3A_78 : vector<1000x144xf32>
    %get3A_80 = arith.constant 0 : index
    %get3A_81 = arith.constant 0 : index
    %get3A_82 = vector.load %arg14[%get3A_80, %get3A_81] : memref<1x144xf32, #tpu.memory_space<vmem>>, vector<1x144xf32>
    %add3A_83 = vector.broadcast %get3A_82 : vector<1x144xf32> to vector<1000x144xf32>
    %add3A_84 = arith.addf %add3A_79, %add3A_83 : vector<1000x144xf32>
    %max3A_85 = arith.constant 0.000000e+00 : f32
    %max3A_86 = vector.broadcast %max3A_85 : f32 to vector<1000x144xf32>
    %max3A_87 = arith.maximumf %add3A_84, %max3A_86 : vector<1000x144xf32>
    %get3A_88 = arith.constant 0 : index
    %get3A_89 = arith.constant 0 : index
    %get3A_90 = vector.load %arg15[%get3A_88, %get3A_89] : memref<144x128xf32, #tpu.memory_space<vmem>>, vector<144x128xf32>
    %dot_general3A_91 = arith.constant dense<0.000000e+00> : vector<1000x128xf32>
    %dot_general3A_92 = tpu.matmul %max3A_87, %get3A_90, %dot_general3A_91 {dimension_numbers = #tpu.dot_dimension_numbers<[1], [0], [0], [1], [0, 0, 1, 1], [], []>, transpose_lhs_hint = false} : vector<1000x144xf32>, vector<144x128xf32>, vector<1000x128xf32> -> vector<1000x128xf32>
    %get3A_93 = arith.constant 0 : index
    %get3A_94 = arith.constant 0 : index
    %get3A_95 = vector.load %arg16[%get3A_93, %get3A_94] : memref<1x128xf32, #tpu.memory_space<vmem>>, vector<1x128xf32>
    %add3A_96 = vector.broadcast %get3A_95 : vector<1x128xf32> to vector<1000x128xf32>
    %add3A_97 = arith.addf %dot_general3A_92, %add3A_96 : vector<1000x128xf32>
    %swap3A = arith.constant 0 : index
    %swap3A_98 = arith.constant 0 : index
    %swap3A_99 = vector.load %arg17[%swap3A, %swap3A_98] : memref<1000x128xf32, #tpu.memory_space<vmem>>, vector<1000x128xf32>
    tpu.vector_store %arg17[%swap3A, %swap3A_98], %add3A_97 {strides = array<i32>} : memref<1000x128xf32, #tpu.memory_space<vmem>>, vector<1000x128xf32>,
    return
  }
  func.func @transform_0(%arg0: i32) -> (i32, i32) {
    %c0_i32 = arith.constant 0 : i32
    %c0_i32_0 = arith.constant 0 : i32
    return %arg0, %c0_i32 : i32, i32
  }
  func.func @transform_1(%arg0: i32) -> (i32, i32, i32) {
    %c0_i32 = arith.constant 0 : i32
    %c0_i32_0 = arith.constant 0 : i32
    %c0_i32_1 = arith.constant 0 : i32
    return %c0_i32, %arg0, %c0_i32_0 : i32, i32, i32
  }
  func.func @transform_2(%arg0: i32) -> (i32, i32, i32) {
    %c1_i32 = arith.constant 1 : i32
    %c0_i32 = arith.constant 0 : i32
    %c0_i32_0 = arith.constant 0 : i32
    return %c1_i32, %arg0, %c0_i32 : i32, i32, i32
  }
  func.func @transform_3(%arg0: i32) -> (i32, i32, i32) {
    %c0_i32 = arith.constant 0 : i32
    %c0_i32_0 = arith.constant 0 : i32
    %c0_i32_1 = arith.constant 0 : i32
    return %c0_i32, %arg0, %c0_i32_0 : i32, i32, i32
  }
  func.func @transform_4(%arg0: i32) -> (i32, i32, i32) {
    %c1_i32 = arith.constant 1 : i32
    %c0_i32 = arith.constant 0 : i32
    %c0_i32_0 = arith.constant 0 : i32
    return %c1_i32, %arg0, %c0_i32 : i32, i32, i32
  }
  func.func @transform_5(%arg0: i32) -> (i32, i32, i32) {
    %c0_i32 = arith.constant 0 : i32
    %c0_i32_0 = arith.constant 0 : i32
    %c0_i32_1 = arith.constant 0 : i32
    return %c0_i32, %arg0, %c0_i32_0 : i32, i32, i32
  }
  func.func @transform_6(%arg0: i32) -> (i32, i32, i32) {
    %c1_i32 = arith.constant 1 : i32
    %c0_i32 = arith.constant 0 : i32
    %c0_i32_0 = arith.constant 0 : i32
    return %c1_i32, %arg0, %c0_i32 : i32, i32, i32
  }
  func.func @transform_7(%arg0: i32) -> (i32, i32) {
    %c0_i32 = arith.constant 0 : i32
    %c0_i32_0 = arith.constant 0 : i32
    %c0_i32_1 = arith.constant 0 : i32
    return %c0_i32, %c0_i32_0 : i32, i32
  }
  func.func @transform_8(%arg0: i32) -> (i32, i32) {
    %c0_i32 = arith.constant 0 : i32
    %c0_i32_0 = arith.constant 0 : i32
    %c0_i32_1 = arith.constant 0 : i32
    return %c0_i32, %c0_i32_0 : i32, i32
  }
  func.func @transform_9(%arg0: i32) -> (i32, i32) {
    %c0_i32 = arith.constant 0 : i32
    %c0_i32_0 = arith.constant 0 : i32
    %c0_i32_1 = arith.constant 0 : i32
    return %c0_i32, %c0_i32_0 : i32, i32
  }
  func.func @transform_10(%arg0: i32) -> (i32, i32) {
    %c0_i32 = arith.constant 0 : i32
    %c0_i32_0 = arith.constant 0 : i32
    %c0_i32_1 = arith.constant 0 : i32
    return %c0_i32, %c0_i32_0 : i32, i32
  }
  func.func @transform_11(%arg0: i32) -> (i32, i32) {
    %c0_i32 = arith.constant 0 : i32
    %c0_i32_0 = arith.constant 0 : i32
    %c0_i32_1 = arith.constant 0 : i32
    return %c0_i32, %c0_i32_0 : i32, i32
  }
  func.func @transform_12(%arg0: i32) -> (i32, i32) {
    %c0_i32 = arith.constant 0 : i32
    %c0_i32_0 = arith.constant 0 : i32
    %c0_i32_1 = arith.constant 0 : i32
    return %c0_i32, %c0_i32_0 : i32, i32
  }
  func.func @transform_13(%arg0: i32) -> (i32, i32) {
    %c0_i32 = arith.constant 0 : i32
    %c0_i32_0 = arith.constant 0 : i32
    %c0_i32_1 = arith.constant 0 : i32
    return %c0_i32, %c0_i32_0 : i32, i32
  }
  func.func @transform_14(%arg0: i32) -> (i32, i32) {
    %c0_i32 = arith.constant 0 : i32
    %c0_i32_0 = arith.constant 0 : i32
    %c0_i32_1 = arith.constant 0 : i32
    return %c0_i32, %c0_i32_0 : i32, i32
  }
  func.func @transform_15(%arg0: i32) -> (i32, i32) {
    %c0_i32 = arith.constant 0 : i32
    %c0_i32_0 = arith.constant 0 : i32
    %c0_i32_1 = arith.constant 0 : i32
    return %c0_i32, %c0_i32_0 : i32, i32
  }
  func.func @transform_16(%arg0: i32) -> (i32, i32) {
    %c0_i32 = arith.constant 0 : i32
    %c0_i32_0 = arith.constant 0 : i32
    return %arg0, %c0_i32 : i32, i32
  }
}

</mosaic_0001>

<sc_bundles>
// kernel: kernel.6.cloned.1.call-start
scs
__scs_entry_jumppad:
0x0: {  	(pc) =	sbr.rel $0x88, $3  }
0x1: {  	(tag) =	ssettag $0x0;
	lr =	simm.s32 $0x1  }
0x2: {  	[smem:$0x3F96] =	sst lr;
	_ =	strace $0xD0000000  }
0x3: {  	_ = 	snop  }
0x4: {  	_ = 	snop  }
0x5: {  	_ = 	snop  }
0x6: {  	_ = 	snop  }
0x7: {  	_ = 	snop  }
__scs_overlays_trampoline_lowered:
0x8: {  	[smem:$0x3FA5] =	sst s0  }
0x9: {  	[smem:$0x3FA6] =	sst s1  }
0xa: {  	[smem:$0x3FA7] =	sst s2  }
0xb: {  	[smem:$0x3FA8] =	sst s3  }
0xc: {  	[smem:$0x3FA9] =	sst s4  }
0xd: {  	[smem:$0x3FAA] =	sst s5  }
0xe: {  	[smem:$0x3FAB] =	sst s6  }
0xf: {  	[smem:$0x3FAC] =	sst s7  }
0x10: {  	[smem:$0x3FAD] =	sst s8  }
0x11: {  	[smem:$0x3FAE] =	sst s9;
	s0 =	simm.s32 @!p0 $0x0  }
0x12: {  	s1 =	sld [smem:$0x3F94];
	s0 =	simm.s32 @p0 $0x1  }
0x13: {  	[smem:$0x3FAF] =	sst s0;
	s0 =	simm.s32 @!p1 $0x0  }
0x14: {  	s2 =	sld [smem:$0x3F93];
	s0 =	simm.s32 @p1 $0x1  }
0x15: {  	[smem:$0x3FB0] =	sst s0;
	s0 =	simm.s32 @!p2 $0x0  }
0x16: {  	s3 =	sld [smem:$0x3FDB];
	s0 =	simm.s32 @p2 $0x1  }
0x17: {  	s4 =	simm.s32 $0x1BF5;
	[smem:$0x3FB2] =	sst s0  }
0x18: {  	s0 =	sld [smem:$0x3F95];
	_ =	swait.ge [sflag:s4], $0x0  }
0x19: {  	s7 =	sld [smem:$0x3F96]  }
0x1a: {  	s8 =	sadd.s32 $0xFFFFE003, lr  }
0x1b: {  	s9 =	sadd.s32 $0xFFFFFEF7, lr;
	s5 =	simm.s32 $0xFFFFFFFF;
	p2 =	slt.u32 s8, $0xFFFFF086  }
0x1c: {  	p1 =	slt.u32 s9, $0xF7A;
	s5 =	simm.s32 @!p2 $0x0  }
0x1d: {  	s5 =	simm.s32 @p1 $0x1;
	p0 =	seq.s32 s7, s2  }
0x1e: {  	s7 =	smul.u32 @!p0 $0xF7A, s2;
	p2 =	seq.s32 @!p0 s5, $0x0  }
0x1f: {  	s9 =	smul.u32 $0xF7A, s1;
	s8 =	simm.s32 @!p0 $0x1BF5;
	p2 =	por !p2, p0  }
0x20: {  	[sflag:s8] =	ssyncset.s32 @!p0 $0xFFFFF086;
	s6 =	sadd.s32 @!p0 s3, s7;
	s7 =	simm.s32 @!p0 $0x108  }
0x21: {  	s3 =	sadd.s32 s3, s9;
	s6 =	sadd.s32 @!p0 $0x88, s6;
	s7 =	simm.s32 @p2 $0x1082  }
0x22: {  	[simem:s7], [sflag:s8] =	dma.local @!p0 [hbm:s6], $0xF7A  }
0x23: {  	s9 =	sor.u32 $0xD0000000, s2;
	s6 =	simm.s32 $0x108;
	_ =	swait.ge @!p0 [sflag:s8], $0x0  }
0x24: {  	s3 =	sadd.s32 $0x88, s3;
	s6 =	simm.s32 @!p1 $0x1082;
	[sflag:s4] =	ssyncset.s32 $0xFFFFF086  }
0x25: {  	[simem:s6], [sflag:s4] =	dma.local [hbm:s3], $0xF7A  }
0x26: {  	[smem:$0x3F96] =	sst s1;
	(tag) =	ssettag s2;
	_ =	strace s9  }
0x27: {  	s1 =	sld [smem:$0x3FA6]  }
0x28: {  	s2 =	sld [smem:$0x3FA7]  }
0x29: {  	s4 =	sld [smem:$0x3FA9]  }
0x2a: {  	p0 =	seq.s32 s5, $0x0;
	s5 =	sld [smem:$0x3FAA]  }
0x2b: {  	s6 =	sld [smem:$0x3FAB]  }
0x2c: {  	s7 =	sld [smem:$0x3FAC]  }
0x2d: {  	s3 =	simm.s32 $0x108;
	s8 =	sld [smem:$0x3FAD]  }
0x2e: {  	s3 =	simm.s32 @!p0 $0x1082;
	s9 =	sld [smem:$0x3FAE]  }
0x2f: {  	lr =	sadd.s32 s0, s3;
	s0 =	sld [smem:$0x3FA5]  }
0x30: {  	s3 =	sld [smem:$0x3FA8]  }
0x31: {  	[smem:$0x3FB1] =	sst s10  }
0x32: {  	s10 =	sld [smem:$0x3FAF];
	_ =	sdelay $0x3  }
0x33: {  	p0 =	seq.s32 s10, $0x1;
	s10 =	sld [smem:$0x3FB1];
	_ =	sdelay $0x3  }
0x34: {  	[smem:$0x3FB1] =	sst s10  }
0x35: {  	s10 =	sld [smem:$0x3FB0];
	_ =	sdelay $0x3  }
0x36: {  	p1 =	seq.s32 s10, $0x1;
	s10 =	sld [smem:$0x3FB1];
	_ =	sdelay $0x3  }
0x37: {  	[smem:$0x3FB1] =	sst s10  }
0x38: {  	s10 =	sld [smem:$0x3FB2]  }
0x39: {  	_ = 	snop;
	(pc) =	sbr.ind lr, $3  }
0x3a: {  	_ = 	snop  }
0x3b: {  	_ = 	snop  }
0x3c: {  	p2 =	seq.s32 s10, $0x1;
	s10 =	sld [smem:$0x3FB1]  }
0x3d: {  	_ =	shalt  }
0x3e: {  	_ =	shalt  }
0x3f: {  	_ =	shalt  }
0x40: {  	_ =	shalt  }
0x41: {  	_ =	shalt  }
0x42: {  	_ =	shalt  }
0x43: {  	_ =	shalt  }
0x44: {  	_ =	shalt  }
0x45: {  	_ =	shalt  }
0x46: {  	_ =	shalt  }
0x47: {  	_ =	shalt  }
0x48: {  	_ =	shalt  }
0x49: {  	_ =	shalt  }
0x4a: {  	_ =	shalt  }
0x4b: {  	_ =	shalt  }
0x4c: {  	_ =	shalt  }
0x4d: {  	_ =	shalt  }
0x4e: {  	_ =	shalt  }
0x4f: {  	_ =	shalt  }
0x50: {  	_ =	shalt  }
0x51: {  	_ =	shalt  }
0x52: {  	_ =	shalt  }
0x53: {  	_ =	shalt  }
0x54: {  	_ =	shalt  }
0x55: {  	_ =	shalt  }
0x56: {  	_ =	shalt  }
0x57: {  	_ =	shalt  }
0x58: {  	_ =	shalt  }
0x59: {  	_ =	shalt  }
0x5a: {  	_ =	shalt  }
0x5b: {  	_ =	shalt  }
0x5c: {  	_ =	shalt  }
0x5d: {  	_ =	shalt  }
0x5e: {  	_ =	shalt  }
0x5f: {  	_ =	shalt  }
0x60: {  	_ =	shalt  }
0x61: {  	_ =	shalt  }
0x62: {  	_ =	shalt  }
0x63: {  	_ =	shalt  }
0x64: {  	_ =	shalt  }
0x65: {  	_ =	shalt  }
0x66: {  	_ =	shalt  }
0x67: {  	_ =	shalt  }
0x68: {  	_ =	shalt  }
0x69: {  	_ =	shalt  }
0x6a: {  	_ =	shalt  }
0x6b: {  	_ =	shalt  }
0x6c: {  	_ =	shalt  }
0x6d: {  	_ =	shalt  }
0x6e: {  	_ =	shalt  }
0x6f: {  	_ =	shalt  }
0x70: {  	_ =	shalt  }
0x71: {  	_ =	shalt  }
0x72: {  	_ =	shalt  }
0x73: {  	_ =	shalt  }
0x74: {  	_ =	shalt  }
0x75: {  	_ =	shalt  }
0x76: {  	_ =	shalt  }
0x77: {  	_ =	shalt  }
0x78: {  	_ =	shalt  }
0x79: {  	_ =	shalt  }
0x7a: {  	_ =	shalt  }
0x7b: {  	_ =	shalt  }
0x7c: {  	_ =	shalt  }
0x7d: {  	_ =	shalt  }
0x7e: {  	_ =	shalt  }
0x7f: {  	_ =	shalt  }
0x80: {  	_ =	shalt  }
0x81: {  	_ =	shalt  }
0x82: {  	_ =	shalt  }
0x83: {  	_ =	shalt  }
0x84: {  	_ =	shalt  }
0x85: {  	_ =	shalt  }
0x86: {  	_ =	shalt  }
0x87: {  	_ =	shalt  }
.Lfunc_end0:
.L_simem_size_0:
called_computation_lowered:
.L_overlay_start_0:
0x88: {  	s2 =	sld [smem:$0x3FD9]  }
0x89: {  	s3 =	sld [smem:$0x3FFE];
	_ =	sdelay $0x1  }
0x8a: {  	s1 =	srdreg.scid  }
0x8b: {  	s0 =	sand.u32 $0x1, s1  }
0x8c: {  	s17 =	sshll.u32 s0, $0xA;
	s2 =	sadd.s32 s3, s2  }
0x8d: {  	s2 =	sadd.s32 s2, s17  }
0x8e: {  	[smem:$0x3FBD] =	sst s2  }
0x8f: {  	_ = 	snop  }
0x90: {  	s2 =	sld [smem:$0x3FD0];
	(tm) =	ssettm $0x1  }
0x91: {  	s18 =	sld [smem:$0x3FFB];
	_ =	sdelay $0x3  }
0x92: {  	_ =	strace s18  }
0x93: {  	s3 =	sld [smem:$0x3FFC];
	_ =	sdelay $0x3  }
0x94: {  	_ =	strace s3  }
0x95: {  	s3 =	sld [smem:$0x3FFD];
	_ =	sdelay $0x3  }
0x96: {  	_ =	strace s3  }
0x97: {  	_ =	strace $0x8FFFFFFF  }
0x98: {  	s19 =	sld [smem:$0x3FDB];
	_ =	sdelay $0x1  }
0x99: {  	s4 =	simm.s32 $_scs_section_size  }
0x9a: {  	s5 =	simm.s32 $_size__tile_overlayer_lowered;
	s6 =	simm.s32 $_tile_overlayer_lowered  }
0x9b: {  	s22 =	simm.s32 $0x1BFF;
	s21 =	sshll.u32 s6, $0x1;
	s3 =	sadd.s32 s4, s19  }
0x9c: {  	s7 =	simm.s32 $0x0;
	s20 =	sshll.u32 s5, $0x1;
	s5 =	sadd.s32 s21, s3  }
0x9d: {  	[timem:s7], [sflag:s22] =	dma.local [hbm:s5], s20  }
0x9e: {  	_ =	swait.ge [sflag:s22], s20  }
0x9f: {  	s4 =	ssub.s32 $0x0, s20;
	[sflag:s22] =	ssyncset.done $0x0  }
0xa0: {  	[sflag:s22] =	ssyncadd.s32 s4;
	_ =	sdelay $0x1  }
0xa1: {  	s23 =	simm.s32 $0x1B8B  }
0xa2: {  	_ =	swait.ge [sflag:s23], $0x1  }
0xa3: {  	[sflag:s23] =	ssyncset.done $0x0  }
0xa4: {  	s25 =	simm.s32 $0x1B8E;
	s24 =	sld [smem:$0x3FFE];
	[sflag:s23] =	ssyncadd.s32 $0xFFFFFFFF  }
0xa5: {  	s26 =	simm.s32 $execute0_lowered;
	[smem:$0x3FD2] =	sst s25  }
0xa6: {  	s5 =	sshll.u32 s26, $0x1;
	_ =	strace $0x80000046;
	[dreg:$0x1] =	wrdreg $0xFFFFFFFF  }
0xa7: {  	s28 =	simm.s32 $_size_execute0_lowered;
	s3 =	sadd.s32 s3, s5;
	[dreg:$0x0] =	wrdreg $0x0  }
0xa8: {  	s5 =	sshll.u32 s28, $0x1;
	[dreg:$0x2] =	wrdreg s3  }
0xa9: {  	[dreg:$0x3] =	wrdreg s5  }
0xaa: {  	[dreg:$0x4] =	wrdreg $0xC0  }
0xab: {  	_ =	task [dreg:s7], $0x5FFFF  }
0xac: {  	[dreg:$0x1] =	wrdreg $0xFFFFFFFF  }
0xad: {  	[dreg:$0x0] =	wrdreg $0x60  }
0xae: {  	[dreg:$0x2] =	wrdreg s2  }
0xaf: {  	[dreg:$0x3] =	wrdreg s24  }
0xb0: {  	[dreg:$0x4] =	wrdreg $0x90000  }
0xb1: {  	[dreg:$0x5] =	wrdreg $0x9  }
0xb2: {  	_ =	task.clear_ibuf [dreg:s7], $0x6FFFF;
	_ =	strace $0x90000046  }
0xb3: {  	s29 =	simm.s32 $0x9;
	_ =	strace $0x80000048  }
0xb4: {  	_ =	swait.ge [sflag:s29], $0x1  }
0xb5: {  	[sflag:s29] =	ssyncadd.s32 $0xFFFFFFFF  }
0xb6: {  	_ =	strace $0x90000048  }
0xb7: {  	_ =	sfence  }
0xb8: {  	s30 =	sld [smem:$0x0];
	_ =	sdelay $0x2  }
0xb9: {  	s31 =	sshll.u32 s1, $0xD;
	s1 =	sshrl.u32 s1, $0x2  }
0xba: {  	s3 =	sand.u32 $0x4000, s31;
	s1 =	sadd.s32 s1, s30  }
0xbb: {  	s0 =	sor.u32 s3, s0;
	s1 =	sshll.u32 s1, $0x11  }
0xbc: {  	s0 =	sor.u32 s1, s0  }
0xbd: {  	s0 =	sadd.s32 $0x8F2B, s0  }
0xbe: {  	[sflag:s0] =	ssyncadd.remote.s32 $0x1  }
0xbf: {  	_ =	sfence.sel $0xFFFF  }
0xc0: {  	[dreg:$0x0] =	wrdreg $0xFFFFFFFF;
	(pc) =	sbr.abs _section_cstart, $3  }
0xc1: {  	[dreg:$0x1] =	wrdreg $0xFFFFFFFF  }
0xc2: {  	_ =	task.clear_ibuf [dreg:s7], $0x2FFFF;
	_ =	strace $0x9FFFFFFF  }
0xc3: {  	(tm) =	ssettm $0x7FFFFFFF  }
tec
execute0_lowered:
.L_overlay_start_1:
0x0: {  	(tag) =	ssettag $0x1  }
0x1: {  	s1 =	rddreg [dreg:$0x0]  }
0x2: {  	s0 =	rddreg [dreg:$0x1]  }
0x3: {  	s2 =	rddreg [dreg:$0x2]  }
0x4: {  	s3 =	simm.s32 $0x0;
	s4 =	srdreg.scid;
	s16 =	stileid.u32  }
0x5: {  	s20 =	simm.s32 $0x3;
	s28 =	simm.s32 $0x1;
	s29 =	simm.s32 $0x2  }
0x6: {  	[smem:$0x7FF] =	sst s3;
	s4 =	sand.u32 $0x1, s4;
	s11 =	smul.u32 $0x14000, s16  }
0x7: {  	s5 =	sadd.s32 $0x18C00, s0;
	s6 =	sadd.s32 $0x3FE00, s0;
	s21 =	smul.u32 $0x50, s16  }
0x8: {  	s7 =	sadd.s32 $0x4F0A00, s0;
	s8 =	sadd.s32 $0xEC00, s0;
	s15 =	smul.u32 $0x50000, s16  }
0x9: {  	s9 =	sadd.s32 $0x4C00, s0;
	s23 =	sshll.u32 s16, $0x6;
	s10 =	smul.u32 $0x140000, s4  }
0xa: {  	s16 =	sadd.s32 $0x4F0B00, s0;
	s12 =	smul.u32 $0x500, s4;
	s4 =	ssub.s32 $0x2, s4  }
0xb: {  	_ =	strace $0x80000047;
	s14 =	sshrl.u32 s4, $0x1;
	s22 =	sshrl.u32 s15, $0x2  }
0xc: {  	s10 =	sadd.s32 s11, s10;
	s4 =	ssub.s32 s4, s14;
	s11 =	sadd.s32 s21, s12  }
0xd: {  	s24 =	sadd.s32 s22, s2;
	s12 =	sor.u32 $0x1C03, s23;
	s21 =	simm.s32 $0x800  }
0xe: {  	s22 =	simm.s32 $0x80;
	s23 =	simm.s32 $0x1000;
	s13 =	sshrl.u32 s10, $0x3  }
0xf: {  	s10 =	sadd.s32 $0x67000, s0;
	s31 =	smax.u32 s4, $0x1;
	s17 =	sadd.s32 s13, s0  }
0x10: {  	s19 =	sshrl.u32 s24, $0x3;
	[dreg:$0x7] =	wrdreg s31;
	s25 =	sadd.s32 $0x69800, s17  }
0x11: {  	s24 =	simm.s32 $0x400;
	s26 =	sadd.s32 $0xB9800, s17;
	[dreg:$0x4] =	wrdreg s25  }
0x12: {  	s13 =	sadd.s32 $0x4F0A80, s0;
	s30 =	sadd.s32 $0x109800, s17;
	[dreg:$0x5] =	wrdreg s26  }
0x13: {  	[dreg:$0x6] =	wrdreg s30;
	s25 =	simm.s32 $0xC00;
	s26 =	simm.s32 $0x5000  }
.LBB2_1:
0x14: {  	[spmem:s19], [sflag:s12] =	dma.local [hbm:s10], $0x2800  }
0x15: {  	_ =	swait.ge [sflag:s20], $0x2800  }
0x16: {  	[sflag:s20] =	ssyncset.done $0x0  }
0x17: {  	[sflag:s20] =	ssyncadd.s32 $0xFFFFD800  }
0x18: {  	s30 =	simm.s32 $0x0;
	[bflag:$0x0] =	sbarrier.arrive $0xFFFF  }
.LBB2_2:
0x19: {  	s0 =	sshll.u32 s30, $0x4  }
0x1a: {  	s31 =	sadd.s32 s11, s0  }
0x1b: {  	s4 =	sshll.u32 s31, $0x4  }
0x1c: {  	s0 =	simm.s32 $0x0;
	s14 =	sadd.s32 s8, s4  }
0x1d: {  	[tilespmem:s0], [sflag:$0x3] =	stream.linear.gather [hbm4b:s14+s0], $0x800, $0x38;
	[tilespmem:$0x1D000] =	vst v63  }
0x1e: {  	_ =	swait.ge [sflag:s20], $0x800  }
0x1f: {  	[sflag:s20] =	ssyncset.done $0x0  }
0x20: {  	s4 =	sadd.s32 s9, s4;
	[sflag:s20] =	ssyncadd.s32 $0xFFFFF800  }
0x21: {  	[tilespmem:s21], [sflag:$0x3] =	stream.linear.gather [hbm4b:s4+s0], $0x800, $0x38;
	[tilespmem:$0x1D000] =	vst v63  }
0x22: {  	_ =	swait.ge [sflag:s20], $0x800  }
0x23: {  	[sflag:s20] =	ssyncset.done $0x0  }
0x24: {  	[sflag:s20] =	ssyncadd.s32 $0xFFFFF800  }
.LBB2_3:
0x25: {  	s14 =	sadd.s32 s31, s0  }
0x26: {  	s4 =	sshll.u32 s0, $0x7;
	s14 =	smul.u32 $0x1800, s14  }
0x27: {  	[tilespmem:s23], [sflag:$0x1] =	stream.indirect.gather [hbm4b:s1+s22], $0x80, s4, s22, $0xb8;
	[tilespmem:$0x1D000] =	vst v63  }
0x28: {  	s14 =	sadd.s32 s7, s14  }
0x29: {  	[tilespmem:s26], [sflag:$0x2] =	stream.strided.gather [hbm4b:s14+s24], $0x4000, s25, s24, $0x38;
	[tilespmem:$0x1D000] =	vst v63  }
0x2a: {  	_ =	swait.ge [sflag:s28], $0x4000  }
0x2b: {  	[sflag:s28] =	ssyncset.done $0x0  }
0x2c: {  	[sflag:s28] =	ssyncadd.s32 $0xFFFFC000  }
0x2d: {  	_ =	swait.ge [sflag:s29], $0x4000  }
0x2e: {  	[sflag:s29] =	ssyncset.done $0x0  }
0x2f: {  	s14 =	simm.s32 $0x0;
	[sflag:s29] =	ssyncadd.s32 $0xFFFFC000  }
0x30: {  	v6 =	vld [tilespmem:s14+$0x5000]  }
0x31: {  	v7 =	vld [tilespmem:s14+$0x5010]  }
0x32: {  	v8 =	vld [tilespmem:s14+$0x5020]  }
0x33: {  	v9 =	vld [tilespmem:s14+$0x5030]  }
0x34: {  	v10 =	vld [tilespmem:s14+$0x5040]  }
0x35: {  	v11 =	vld [tilespmem:s14+$0x5050]  }
0x36: {  	v12 =	vld [tilespmem:s14+$0x5060]  }
0x37: {  	v13 =	vld [tilespmem:s14+$0x5070]  }
0x38: {  	v14 =	vld [tilespmem:s14+$0x5080]  }
0x39: {  	v15 =	vld [tilespmem:s14+$0x5090]  }
0x3a: {  	v5 =	vld [tilespmem:s14+$0x50A0]  }
0x3b: {  	v4 =	vld [tilespmem:s14+$0x50B0]  }
0x3c: {  	v3 =	vld [tilespmem:s14+$0x50C0]  }
0x3d: {  	v16 =	vld [tilespmem:s14+$0x1000]  }
0x3e: {  	v17 =	vld [tilespmem:s14+$0x1010]  }
0x3f: {  	v2 =	vld [tilespmem:s14+$0x50D0]  }
0x40: {  	v18 =	vld [tilespmem:s14+$0x1020]  }
0x41: {  	v19 =	vld [tilespmem:s14+$0x1030]  }
0x42: {  	v1 =	vld [tilespmem:s14+$0x50E0];
	v6 =	vadd.f32 v6, v16  }
0x43: {  	v20 =	vld [tilespmem:s14+$0x1040];
	v7 =	vadd.f32 v7, v17  }
0x44: {  	v60 =	vld [tilespmem:s14+$0x1050];
	v6 =	vmax.f32 v6, $0.0e+00  }
0x45: {  	v0 =	vld [tilespmem:s14+$0x50F0];
	v7 =	vmax.f32 v7, $0.0e+00;
	[tilespmem:s14+$0x1000] =	vst v6;
	v6 =	vadd.f32 v8, v18  }
0x46: {  	v21 =	vld [tilespmem:s14+$0x1060];
	[tilespmem:s14+$0x1010] =	vst v7;
	v7 =	vadd.f32 v9, v19  }
0x47: {  	v61 =	vld [tilespmem:s14+$0x1070];
	v6 =	vmax.f32 v6, $0.0e+00  }
0x48: {  	v62 =	vld [tilespmem:s14+$0x1080];
	v8 =	vmax.f32 v7, $0.0e+00;
	[tilespmem:s14+$0x1020] =	vst v6;
	v6 =	vadd.f32 v10, v20  }
0x49: {  	v63 =	vld [tilespmem:s14+$0x1090];
	[tilespmem:s14+$0x1030] =	vst v8;
	v8 =	vadd.f32 v11, v60  }
0x4a: {  	v7 =	vld [tilespmem:s14+$0x10A0];
	v9 =	vmax.f32 v6, $0.0e+00  }
0x4b: {  	v6 =	vld [tilespmem:s14+$0x10B0];
	v10 =	vmax.f32 v8, $0.0e+00;
	[tilespmem:s14+$0x1040] =	vst v9;
	v9 =	vadd.f32 v12, v21  }
0x4c: {  	v8 =	vld [tilespmem:s14+$0x10C0];
	[tilespmem:s14+$0x1050] =	vst v10;
	v10 =	vadd.f32 v13, v61  }
0x4d: {  	v12 =	vadd.f32 v14, v62;
	v11 =	vmax.f32 v9, $0.0e+00;
	v9 =	vld [tilespmem:s14+$0x10D0]  }
0x4e: {  	s15 =	simm.s32 $0x400;
	v13 =	vmax.f32 v10, $0.0e+00;
	v10 =	vld [tilespmem:s14+$0x10E0];
	[tilespmem:s14+$0x1060] =	vst v11;
	v11 =	vadd.f32 v15, v63  }
.LBB2_4:
0x4f: {  	s17 =	sshra.s32 s15, $0x2;
	p0 =	sne.s32 s15, $0xFC00;
	[tilespmem:s14+$0x1070] =	vst v13;
	v12 =	vmax.f32 v12, $0.0e+00;
	v5 =	vadd.f32 v5, v7;
	v7 =	vld [tilespmem:s14+$0x10F0]  }
0x50: {  	v13 =	vld [tilespmem:s17+$0x5000];
	[tilespmem:s14+$0x1080] =	vst v12;
	v11 =	vmax.f32 v11, $0.0e+00;
	v4 =	vadd.f32 v4, v6  }
0x51: {  	v6 =	vld [tilespmem:s17+$0x5010];
	[tilespmem:s14+$0x1090] =	vst v11;
	v5 =	vmax.f32 v5, $0.0e+00;
	v3 =	vadd.f32 v3, v8  }
0x52: {  	v8 =	vld [tilespmem:s17+$0x5020];
	[tilespmem:s14+$0x10A0] =	vst v5;
	v4 =	vmax.f32 v4, $0.0e+00;
	v2 =	vadd.f32 v2, v9  }
0x53: {  	v9 =	vld [tilespmem:s17+$0x5030];
	[tilespmem:s14+$0x10B0] =	vst v4;
	v3 =	vmax.f32 v3, $0.0e+00;
	v1 =	vadd.f32 v1, v10  }
0x54: {  	v10 =	vld [tilespmem:s17+$0x5040];
	[tilespmem:s14+$0x10C0] =	vst v3;
	v2 =	vmax.f32 v2, $0.0e+00;
	v0 =	vadd.f32 v0, v7  }
0x55: {  	v7 =	vld [tilespmem:s17+$0x5050];
	[tilespmem:s14+$0x10D0] =	vst v2;
	v1 =	vmax.f32 v1, $0.0e+00  }
0x56: {  	v11 =	vld [tilespmem:s17+$0x5060];
	[tilespmem:s14+$0x10E0] =	vst v1;
	v0 =	vmax.f32 v0, $0.0e+00  }
0x57: {  	v12 =	vld [tilespmem:s17+$0x5070];
	[tilespmem:s14+$0x10F0] =	vst v0;
	s14 =	smov.u32 s17  }
0x58: {  	v14 =	vld [tilespmem:s14+$0x5080]  }
0x59: {  	v15 =	vld [tilespmem:s14+$0x5090]  }
0x5a: {  	v5 =	vld [tilespmem:s14+$0x50A0]  }
0x5b: {  	v4 =	vld [tilespmem:s14+$0x50B0]  }
0x5c: {  	v3 =	vld [tilespmem:s14+$0x50C0]  }
0x5d: {  	v2 =	vld [tilespmem:s14+$0x50D0]  }
0x5e: {  	v1 =	vld [tilespmem:s14+$0x50E0]  }
0x5f: {  	v0 =	vld [tilespmem:s14+$0x50F0]  }
0x60: {  	v16 =	vld [tilespmem:s14+$0x1000]  }
0x61: {  	v17 =	vld [tilespmem:s14+$0x1010]  }
0x62: {  	v18 =	vld [tilespmem:s14+$0x1020]  }
0x63: {  	v19 =	vld [tilespmem:s14+$0x1030]  }
0x64: {  	v20 =	vld [tilespmem:s14+$0x1040]  }
0x65: {  	v13 =	vadd.f32 v13, v16;
	v16 =	vld [tilespmem:s14+$0x1050]  }
0x66: {  	v6 =	vadd.f32 v6, v17;
	v17 =	vld [tilespmem:s14+$0x1060]  }
0x67: {  	v13 =	vmax.f32 v13, $0.0e+00;
	v8 =	vadd.f32 v8, v18;
	v18 =	vld [tilespmem:s14+$0x1070]  }
0x68: {  	[tilespmem:s14+$0x1000] =	vst v13;
	v6 =	vmax.f32 v6, $0.0e+00;
	v9 =	vadd.f32 v9, v19;
	v13 =	vld [tilespmem:s14+$0x1080]  }
0x69: {  	[tilespmem:s14+$0x1010] =	vst v6;
	v6 =	vmax.f32 v8, $0.0e+00;
	v8 =	vadd.f32 v10, v20;
	v10 =	vld [tilespmem:s14+$0x1090]  }
.Ltmp0:
0x6a: {  	[tilespmem:s14+$0x1020] =	vst v6;
	v6 =	vmax.f32 v9, $0.0e+00;
	v9 =	vadd.f32 v7, v16;
	v7 =	vld [tilespmem:s14+$0x10A0];
	(pc) =	sbr.rel @p0 .LBB2_4-.Ltmp0, $4  }
0x6b: {  	[tilespmem:s14+$0x1030] =	vst v6;
	v8 =	vmax.f32 v8, $0.0e+00;
	v11 =	vadd.f32 v11, v17;
	v6 =	vld [tilespmem:s14+$0x10B0]  }
0x6c: {  	[tilespmem:s14+$0x1040] =	vst v8;
	v9 =	vmax.f32 v9, $0.0e+00;
	v16 =	vadd.f32 v12, v18;
	v8 =	vld [tilespmem:s14+$0x10C0]  }
0x6d: {  	[tilespmem:s14+$0x1050] =	vst v9;
	v11 =	vmax.f32 v11, $0.0e+00;
	v12 =	vadd.f32 v14, v13;
	v9 =	vld [tilespmem:s14+$0x10D0]  }
0x6e: {  	s15 =	sadd.s32 $0x400, s15;
	[tilespmem:s14+$0x1060] =	vst v11;
	v13 =	vmax.f32 v16, $0.0e+00;
	v11 =	vadd.f32 v15, v10;
	v10 =	vld [tilespmem:s14+$0x10E0]  }
0x6f: {  	[tilespmem:s14+$0x1070] =	vst v13;
	v12 =	vmax.f32 v12, $0.0e+00;
	v5 =	vadd.f32 v5, v7;
	v63 =	vld [tilespmem:s14+$0x10F0]  }
0x70: {  	[tilespmem:s14+$0x1080] =	vst v12;
	v11 =	vmax.f32 v11, $0.0e+00;
	v4 =	vadd.f32 v4, v6  }
0x71: {  	[tilespmem:s14+$0x1090] =	vst v11;
	v5 =	vmax.f32 v5, $0.0e+00;
	v3 =	vadd.f32 v3, v8  }
0x72: {  	[tilespmem:s14+$0x10A0] =	vst v5;
	v4 =	vmax.f32 v4, $0.0e+00;
	v2 =	vadd.f32 v2, v9  }
0x73: {  	[tilespmem:s14+$0x10B0] =	vst v4;
	v3 =	vmax.f32 v3, $0.0e+00;
	v1 =	vadd.f32 v1, v10  }
0x74: {  	[tilespmem:s14+$0x10C0] =	vst v3;
	v2 =	vmax.f32 v2, $0.0e+00;
	v0 =	vadd.f32 v0, v63  }
0x75: {  	s0 =	sadd.s32 $0x1, s0;
	[tilespmem:s14+$0x10D0] =	vst v2;
	v1 =	vmax.f32 v1, $0.0e+00  }
0x76: {  	p0 =	sne.s32 s0, $0x10;
	[tilespmem:s14+$0x10E0] =	vst v1;
	v0 =	vmax.f32 v0, $0.0e+00  }
.Ltmp1:
0x77: {  	s4 =	sadd.s32 $0x800, s4;
	[tilespmem:s14+$0x10F0] =	vst v0;
	(pc) =	sbr.rel @p0 .LBB2_3-.Ltmp1, $4  }
0x78: {  	[spmem:s2] =	stream.indirect.scatter.add.f32 [tilespmem:s23], [sflag:$0x3], $0x80, s4, s22, $0xb8;
	[tilespmem:$0x1D000] =	vst v63  }
0x79: {  	_ =	swait.ge [sflag:s20], $0x4000  }
0x7a: {  	[sflag:s20] =	ssyncset.done $0x0  }
0x7b: {  	[sflag:s20] =	ssyncadd.s32 $0xFFFFC000  }
0x7c: {  	s30 =	sadd.s32 $0x1, s30  }
0x7d: {  	p0 =	sne.s32 s30, $0x5  }
.Ltmp2:
0x7e: {  	_ = 	snop;
	(pc) =	sbr.rel @p0 .LBB2_2-.Ltmp2, $1  }
0x7f: {  	_ =	sdelay $0x3  }
0x80: {  	[bflag:$0x0] =	sbarrier.arrive $0xFFFF  }
0x81: {  	s0 =	rddreg [dreg:$0x4]  }
0x82: {  	[hbm:s0], [sflag:s12] =	dma.local [spmem:s19], $0x2800  }
0x83: {  	_ =	swait.ge [sflag:s20], $0x2800  }
0x84: {  	[sflag:s20] =	ssyncset.done $0x0  }
0x85: {  	[sflag:s20] =	ssyncadd.s32 $0xFFFFD800  }
0x86: {  	[spmem:s19], [sflag:s12] =	dma.local [hbm:s10], $0x2800  }
0x87: {  	_ =	swait.ge [sflag:s20], $0x2800  }
0x88: {  	[sflag:s20] =	ssyncset.done $0x0  }
0x89: {  	[sflag:s20] =	ssyncadd.s32 $0xFFFFD800  }
0x8a: {  	s30 =	simm.s32 $0x0;
	s31 =	simm.s32 $0x0;
	[bflag:$0x0] =	sbarrier.arrive $0xFFFF  }
.LBB2_8:
0x8b: {  	s0 =	sshll.u32 s31, $0x4  }
0x8c: {  	s0 =	sadd.s32 s11, s0  }
0x8d: {  	s4 =	sshll.u32 s0, $0x4  }
0x8e: {  	s14 =	sadd.s32 s8, s4  }
0x8f: {  	[tilespmem:s30], [sflag:$0x3] =	stream.linear.gather [hbm4b:s14+s30], $0x800, $0x38;
	[tilespmem:$0x1D000] =	vst v63  }
0x90: {  	_ =	swait.ge [sflag:s20], $0x800  }
0x91: {  	[sflag:s20] =	ssyncset.done $0x0  }
0x92: {  	s4 =	sadd.s32 s9, s4;
	[sflag:s20] =	ssyncadd.s32 $0xFFFFF800  }
0x93: {  	[tilespmem:s21], [sflag:$0x3] =	stream.linear.gather [hbm4b:s4+s30], $0x800, $0x38;
	[tilespmem:$0x1D000] =	vst v63  }
0x94: {  	_ =	swait.ge [sflag:s20], $0x800  }
0x95: {  	[sflag:s20] =	ssyncset.done $0x0  }
0x96: {  	s4 =	simm.s32 $0x0;
	[sflag:s20] =	ssyncadd.s32 $0xFFFFF800  }
.LBB2_9:
0x97: {  	s15 =	sadd.s32 s0, s4  }
0x98: {  	s14 =	sshll.u32 s4, $0x7;
	s15 =	smul.u32 $0x1800, s15  }
0x99: {  	[tilespmem:s23], [sflag:$0x1] =	stream.indirect.gather [hbm4b:s5+s22], $0x80, s14, s22, $0xb8;
	[tilespmem:$0x1D000] =	vst v63  }
0x9a: {  	s15 =	sadd.s32 s15, s13  }
0x9b: {  	[tilespmem:s26], [sflag:$0x2] =	stream.strided.gather [hbm4b:s15+s24], $0x4000, s25, s24, $0x38;
	[tilespmem:$0x1D000] =	vst v63  }
0x9c: {  	_ =	swait.ge [sflag:s28], $0x4000  }
0x9d: {  	[sflag:s28] =	ssyncset.done $0x0  }
0x9e: {  	[sflag:s28] =	ssyncadd.s32 $0xFFFFC000  }
0x9f: {  	_ =	swait.ge [sflag:s29], $0x4000  }
0xa0: {  	[sflag:s29] =	ssyncset.done $0x0  }
0xa1: {  	s15 =	simm.s32 $0x0;
	[sflag:s29] =	ssyncadd.s32 $0xFFFFC000  }
0xa2: {  	v6 =	vld [tilespmem:s15+$0x5000]  }
0xa3: {  	v7 =	vld [tilespmem:s15+$0x5010]  }
0xa4: {  	v8 =	vld [tilespmem:s15+$0x5020]  }
0xa5: {  	v9 =	vld [tilespmem:s15+$0x5030]  }
0xa6: {  	v10 =	vld [tilespmem:s15+$0x5040]  }
0xa7: {  	v11 =	vld [tilespmem:s15+$0x5050]  }
0xa8: {  	v12 =	vld [tilespmem:s15+$0x5060]  }
0xa9: {  	v13 =	vld [tilespmem:s15+$0x5070]  }
0xaa: {  	v14 =	vld [tilespmem:s15+$0x5080]  }
0xab: {  	v15 =	vld [tilespmem:s15+$0x5090]  }
0xac: {  	v5 =	vld [tilespmem:s15+$0x50A0]  }
0xad: {  	v4 =	vld [tilespmem:s15+$0x50B0]  }
0xae: {  	v3 =	vld [tilespmem:s15+$0x50C0]  }
0xaf: {  	v16 =	vld [tilespmem:s15+$0x1000]  }
0xb0: {  	v17 =	vld [tilespmem:s15+$0x1010]  }
0xb1: {  	v2 =	vld [tilespmem:s15+$0x50D0]  }
0xb2: {  	v18 =	vld [tilespmem:s15+$0x1020]  }
0xb3: {  	v19 =	vld [tilespmem:s15+$0x1030]  }
0xb4: {  	v1 =	vld [tilespmem:s15+$0x50E0];
	v6 =	vadd.f32 v6, v16  }
0xb5: {  	v20 =	vld [tilespmem:s15+$0x1040];
	v7 =	vadd.f32 v7, v17  }
0xb6: {  	v60 =	vld [tilespmem:s15+$0x1050];
	v6 =	vmax.f32 v6, $0.0e+00  }
0xb7: {  	v0 =	vld [tilespmem:s15+$0x50F0];
	v7 =	vmax.f32 v7, $0.0e+00;
	[tilespmem:s15+$0x1000] =	vst v6;
	v6 =	vadd.f32 v8, v18  }
0xb8: {  	v21 =	vld [tilespmem:s15+$0x1060];
	[tilespmem:s15+$0x1010] =	vst v7;
	v7 =	vadd.f32 v9, v19  }
0xb9: {  	v61 =	vld [tilespmem:s15+$0x1070];
	v6 =	vmax.f32 v6, $0.0e+00  }
0xba: {  	v62 =	vld [tilespmem:s15+$0x1080];
	v8 =	vmax.f32 v7, $0.0e+00;
	[tilespmem:s15+$0x1020] =	vst v6;
	v6 =	vadd.f32 v10, v20  }
0xbb: {  	v63 =	vld [tilespmem:s15+$0x1090];
	[tilespmem:s15+$0x1030] =	vst v8;
	v8 =	vadd.f32 v11, v60  }
0xbc: {  	v7 =	vld [tilespmem:s15+$0x10A0];
	v9 =	vmax.f32 v6, $0.0e+00  }
0xbd: {  	v6 =	vld [tilespmem:s15+$0x10B0];
	v10 =	vmax.f32 v8, $0.0e+00;
	[tilespmem:s15+$0x1040] =	vst v9;
	v9 =	vadd.f32 v12, v21  }
0xbe: {  	v8 =	vld [tilespmem:s15+$0x10C0];
	[tilespmem:s15+$0x1050] =	vst v10;
	v10 =	vadd.f32 v13, v61  }
0xbf: {  	v12 =	vadd.f32 v14, v62;
	v11 =	vmax.f32 v9, $0.0e+00;
	v9 =	vld [tilespmem:s15+$0x10D0]  }
0xc0: {  	s17 =	simm.s32 $0x400;
	v13 =	vmax.f32 v10, $0.0e+00;
	v10 =	vld [tilespmem:s15+$0x10E0];
	[tilespmem:s15+$0x1060] =	vst v11;
	v11 =	vadd.f32 v15, v63  }
.LBB2_10:
0xc1: {  	s18 =	sshra.s32 s17, $0x2;
	p0 =	sne.s32 s17, $0xFC00;
	[tilespmem:s15+$0x1070] =	vst v13;
	v12 =	vmax.f32 v12, $0.0e+00;
	v5 =	vadd.f32 v5, v7;
	v7 =	vld [tilespmem:s15+$0x10F0]  }
0xc2: {  	v13 =	vld [tilespmem:s18+$0x5000];
	[tilespmem:s15+$0x1080] =	vst v12;
	v11 =	vmax.f32 v11, $0.0e+00;
	v4 =	vadd.f32 v4, v6  }
0xc3: {  	v6 =	vld [tilespmem:s18+$0x5010];
	[tilespmem:s15+$0x1090] =	vst v11;
	v5 =	vmax.f32 v5, $0.0e+00;
	v3 =	vadd.f32 v3, v8  }
0xc4: {  	v8 =	vld [tilespmem:s18+$0x5020];
	[tilespmem:s15+$0x10A0] =	vst v5;
	v4 =	vmax.f32 v4, $0.0e+00;
	v2 =	vadd.f32 v2, v9  }
0xc5: {  	v9 =	vld [tilespmem:s18+$0x5030];
	[tilespmem:s15+$0x10B0] =	vst v4;
	v3 =	vmax.f32 v3, $0.0e+00;
	v1 =	vadd.f32 v1, v10  }
0xc6: {  	v10 =	vld [tilespmem:s18+$0x5040];
	[tilespmem:s15+$0x10C0] =	vst v3;
	v2 =	vmax.f32 v2, $0.0e+00;
	v0 =	vadd.f32 v0, v7  }
0xc7: {  	v7 =	vld [tilespmem:s18+$0x5050];
	[tilespmem:s15+$0x10D0] =	vst v2;
	v1 =	vmax.f32 v1, $0.0e+00  }
0xc8: {  	v11 =	vld [tilespmem:s18+$0x5060];
	[tilespmem:s15+$0x10E0] =	vst v1;
	v0 =	vmax.f32 v0, $0.0e+00  }
0xc9: {  	v12 =	vld [tilespmem:s18+$0x5070];
	[tilespmem:s15+$0x10F0] =	vst v0;
	s15 =	smov.u32 s18  }
0xca: {  	v14 =	vld [tilespmem:s15+$0x5080]  }
0xcb: {  	v15 =	vld [tilespmem:s15+$0x5090]  }
0xcc: {  	v5 =	vld [tilespmem:s15+$0x50A0]  }
0xcd: {  	v4 =	vld [tilespmem:s15+$0x50B0]  }
0xce: {  	v3 =	vld [tilespmem:s15+$0x50C0]  }
0xcf: {  	v2 =	vld [tilespmem:s15+$0x50D0]  }
0xd0: {  	v1 =	vld [tilespmem:s15+$0x50E0]  }
0xd1: {  	v0 =	vld [tilespmem:s15+$0x50F0]  }
0xd2: {  	v16 =	vld [tilespmem:s15+$0x1000]  }
0xd3: {  	v17 =	vld [tilespmem:s15+$0x1010]  }
0xd4: {  	v18 =	vld [tilespmem:s15+$0x1020]  }
0xd5: {  	v19 =	vld [tilespmem:s15+$0x1030]  }
0xd6: {  	v20 =	vld [tilespmem:s15+$0x1040]  }
0xd7: {  	v13 =	vadd.f32 v13, v16;
	v16 =	vld [tilespmem:s15+$0x1050]  }
0xd8: {  	v6 =	vadd.f32 v6, v17;
	v17 =	vld [tilespmem:s15+$0x1060]  }
0xd9: {  	v13 =	vmax.f32 v13, $0.0e+00;
	v8 =	vadd.f32 v8, v18;
	v18 =	vld [tilespmem:s15+$0x1070]  }
0xda: {  	[tilespmem:s15+$0x1000] =	vst v13;
	v6 =	vmax.f32 v6, $0.0e+00;
	v9 =	vadd.f32 v9, v19;
	v13 =	vld [tilespmem:s15+$0x1080]  }
0xdb: {  	[tilespmem:s15+$0x1010] =	vst v6;
	v6 =	vmax.f32 v8, $0.0e+00;
	v8 =	vadd.f32 v10, v20;
	v10 =	vld [tilespmem:s15+$0x1090]  }
.Ltmp3:
0xdc: {  	[tilespmem:s15+$0x1020] =	vst v6;
	v6 =	vmax.f32 v9, $0.0e+00;
	v9 =	vadd.f32 v7, v16;
	v7 =	vld [tilespmem:s15+$0x10A0];
	(pc) =	sbr.rel @p0 .LBB2_10-.Ltmp3, $4  }
0xdd: {  	[tilespmem:s15+$0x1030] =	vst v6;
	v8 =	vmax.f32 v8, $0.0e+00;
	v11 =	vadd.f32 v11, v17;
	v6 =	vld [tilespmem:s15+$0x10B0]  }
0xde: {  	[tilespmem:s15+$0x1040] =	vst v8;
	v9 =	vmax.f32 v9, $0.0e+00;
	v16 =	vadd.f32 v12, v18;
	v8 =	vld [tilespmem:s15+$0x10C0]  }
0xdf: {  	[tilespmem:s15+$0x1050] =	vst v9;
	v11 =	vmax.f32 v11, $0.0e+00;
	v12 =	vadd.f32 v14, v13;
	v9 =	vld [tilespmem:s15+$0x10D0]  }
0xe0: {  	s17 =	sadd.s32 $0x400, s17;
	[tilespmem:s15+$0x1060] =	vst v11;
	v13 =	vmax.f32 v16, $0.0e+00;
	v11 =	vadd.f32 v15, v10;
	v10 =	vld [tilespmem:s15+$0x10E0]  }
0xe1: {  	[tilespmem:s15+$0x1070] =	vst v13;
	v12 =	vmax.f32 v12, $0.0e+00;
	v5 =	vadd.f32 v5, v7;
	v63 =	vld [tilespmem:s15+$0x10F0]  }
0xe2: {  	[tilespmem:s15+$0x1080] =	vst v12;
	v11 =	vmax.f32 v11, $0.0e+00;
	v4 =	vadd.f32 v4, v6  }
0xe3: {  	[tilespmem:s15+$0x1090] =	vst v11;
	v5 =	vmax.f32 v5, $0.0e+00;
	v3 =	vadd.f32 v3, v8  }
0xe4: {  	[tilespmem:s15+$0x10A0] =	vst v5;
	v4 =	vmax.f32 v4, $0.0e+00;
	v2 =	vadd.f32 v2, v9  }
0xe5: {  	[tilespmem:s15+$0x10B0] =	vst v4;
	v3 =	vmax.f32 v3, $0.0e+00;
	v1 =	vadd.f32 v1, v10  }
0xe6: {  	[tilespmem:s15+$0x10C0] =	vst v3;
	v2 =	vmax.f32 v2, $0.0e+00;
	v0 =	vadd.f32 v0, v63  }
0xe7: {  	s4 =	sadd.s32 $0x1, s4;
	[tilespmem:s15+$0x10D0] =	vst v2;
	v1 =	vmax.f32 v1, $0.0e+00  }
0xe8: {  	p0 =	sne.s32 s4, $0x10;
	[tilespmem:s15+$0x10E0] =	vst v1;
	v0 =	vmax.f32 v0, $0.0e+00  }
.Ltmp4:
0xe9: {  	s14 =	sadd.s32 $0x800, s14;
	[tilespmem:s15+$0x10F0] =	vst v0;
	(pc) =	sbr.rel @p0 .LBB2_9-.Ltmp4, $4  }
0xea: {  	[spmem:s2] =	stream.indirect.scatter.add.f32 [tilespmem:s23], [sflag:$0x3], $0x80, s14, s22, $0xb8;
	[tilespmem:$0x1D000] =	vst v63  }
0xeb: {  	_ =	swait.ge [sflag:s20], $0x4000  }
0xec: {  	[sflag:s20] =	ssyncset.done $0x0  }
0xed: {  	[sflag:s20] =	ssyncadd.s32 $0xFFFFC000  }
0xee: {  	s31 =	sadd.s32 $0x1, s31  }
0xef: {  	p0 =	sne.s32 s31, $0x5  }
.Ltmp5:
0xf0: {  	_ = 	snop;
	(pc) =	sbr.rel @p0 .LBB2_8-.Ltmp5, $1  }
0xf1: {  	_ =	sdelay $0x3  }
0xf2: {  	[bflag:$0x0] =	sbarrier.arrive $0xFFFF  }
0xf3: {  	s0 =	rddreg [dreg:$0x5]  }
0xf4: {  	[hbm:s0], [sflag:s12] =	dma.local [spmem:s19], $0x2800  }
0xf5: {  	_ =	swait.ge [sflag:s20], $0x2800  }
0xf6: {  	[sflag:s20] =	ssyncset.done $0x0  }
0xf7: {  	[sflag:s20] =	ssyncadd.s32 $0xFFFFD800  }
0xf8: {  	[spmem:s19], [sflag:s12] =	dma.local [hbm:s10], $0x2800  }
0xf9: {  	_ =	swait.ge [sflag:s20], $0x2800  }
0xfa: {  	[sflag:s20] =	ssyncset.done $0x0  }
0xfb: {  	[sflag:s20] =	ssyncadd.s32 $0xFFFFD800  }
0xfc: {  	s4 =	simm.s32 $0x0;
	s0 =	simm.s32 $0x0;
	[bflag:$0x0] =	sbarrier.arrive $0xFFFF  }
.LBB2_14:
0xfd: {  	s14 =	sshll.u32 s4, $0x4  }
0xfe: {  	s14 =	sadd.s32 s11, s14  }
0xff: {  	s15 =	sshll.u32 s14, $0x4  }
0x100: {  	s17 =	sadd.s32 s8, s15  }
0x101: {  	[tilespmem:s0], [sflag:$0x3] =	stream.linear.gather [hbm4b:s17+s0], $0x800, $0x38;
	[tilespmem:$0x1D000] =	vst v63  }
0x102: {  	_ =	swait.ge [sflag:s20], $0x800  }
0x103: {  	[sflag:s20] =	ssyncset.done $0x0  }
0x104: {  	s15 =	sadd.s32 s9, s15;
	[sflag:s20] =	ssyncadd.s32 $0xFFFFF800  }
0x105: {  	[tilespmem:s21], [sflag:$0x3] =	stream.linear.gather [hbm4b:s15+s0], $0x800, $0x38;
	[tilespmem:$0x1D000] =	vst v63  }
0x106: {  	_ =	swait.ge [sflag:s20], $0x800  }
0x107: {  	[sflag:s20] =	ssyncset.done $0x0  }
0x108: {  	s15 =	simm.s32 $0x0;
	[sflag:s20] =	ssyncadd.s32 $0xFFFFF800  }
.LBB2_15:
0x109: {  	s18 =	sadd.s32 s14, s15  }
0x10a: {  	s17 =	sshll.u32 s15, $0x7;
	s18 =	smul.u32 $0x1800, s18  }
0x10b: {  	[tilespmem:s23], [sflag:$0x1] =	stream.indirect.gather [hbm4b:s6+s22], $0x80, s17, s22, $0xb8;
	[tilespmem:$0x1D000] =	vst v63  }
0x10c: {  	s18 =	sadd.s32 s18, s16  }
0x10d: {  	[tilespmem:s26], [sflag:$0x2] =	stream.strided.gather [hbm4b:s18+s24], $0x4000, s25, s24, $0x38;
	[tilespmem:$0x1D000] =	vst v63  }
0x10e: {  	_ =	swait.ge [sflag:s28], $0x4000  }
0x10f: {  	[sflag:s28] =	ssyncset.done $0x0  }
0x110: {  	[sflag:s28] =	ssyncadd.s32 $0xFFFFC000  }
0x111: {  	_ =	swait.ge [sflag:s29], $0x4000  }
0x112: {  	[sflag:s29] =	ssyncset.done $0x0  }
0x113: {  	s30 =	simm.s32 $0x0;
	[sflag:s29] =	ssyncadd.s32 $0xFFFFC000  }
0x114: {  	v2 =	vld [tilespmem:s30+$0x5000]  }
0x115: {  	v3 =	vld [tilespmem:s30+$0x5010]  }
0x116: {  	v1 =	vld [tilespmem:s30+$0x5080]  }
0x117: {  	v0 =	vld [tilespmem:s30+$0x5090]  }
0x118: {  	v4 =	vld [tilespmem:s30+$0x1000]  }
0x119: {  	v6 =	vld [tilespmem:s30+$0x1010]  }
0x11a: {  	s31 =	simm.s32 $0x400;
	v5 =	vld [tilespmem:s30+$0x1080]  }
.LBB2_16:
0x11b: {  	p0 =	sne.s32 s31, $0xFC00;
	v7 =	vld [tilespmem:s30+$0x1090]  }
0x11c: {  	s18 =	sshra.s32 s31, $0x2  }
0x11d: {  	v4 =	vadd.f32 v2, v4;
	v2 =	vld [tilespmem:s18+$0x5000]  }
0x11e: {  	v6 =	vadd.f32 v3, v6;
	v3 =	vld [tilespmem:s18+$0x5010]  }
.Ltmp6:
0x11f: {  	v4 =	vmax.f32 v4, $0.0e+00;
	v5 =	vadd.f32 v1, v5;
	v1 =	vld [tilespmem:s18+$0x5080];
	(pc) =	sbr.rel @p0 .LBB2_16-.Ltmp6, $4  }
0x120: {  	[tilespmem:s30+$0x1000] =	vst v4;
	v6 =	vmax.f32 v6, $0.0e+00;
	v7 =	vadd.f32 v0, v7;
	v0 =	vld [tilespmem:s18+$0x5090]  }
0x121: {  	v4 =	vld [tilespmem:s18+$0x1000];
	[tilespmem:s30+$0x1010] =	vst v6;
	v5 =	vmax.f32 v5, $0.0e+00  }
0x122: {  	v6 =	vld [tilespmem:s18+$0x1010];
	[tilespmem:s30+$0x1080] =	vst v5;
	v7 =	vmax.f32 v7, $0.0e+00  }
0x123: {  	s31 =	sadd.s32 $0x400, s31;
	v5 =	vld [tilespmem:s18+$0x1080];
	[tilespmem:s30+$0x1090] =	vst v7;
	s30 =	smov.u32 s18  }
0x124: {  	v7 =	vld [tilespmem:s30+$0x1090];
	_ =	sdelay $0x1  }
0x125: {  	v2 =	vadd.f32 v2, v4  }
0x126: {  	v3 =	vadd.f32 v3, v6  }
0x127: {  	v2 =	vmax.f32 v2, $0.0e+00;
	v1 =	vadd.f32 v1, v5  }
0x128: {  	[tilespmem:s30+$0x1000] =	vst v2;
	v63 =	vmax.f32 v3, $0.0e+00;
	v0 =	vadd.f32 v0, v7  }
0x129: {  	s15 =	sadd.s32 $0x1, s15;
	[tilespmem:s30+$0x1010] =	vst v63;
	v1 =	vmax.f32 v1, $0.0e+00  }
0x12a: {  	p0 =	sne.s32 s15, $0x10;
	[tilespmem:s30+$0x1080] =	vst v1;
	v0 =	vmax.f32 v0, $0.0e+00  }
.Ltmp7:
0x12b: {  	s17 =	sadd.s32 $0x800, s17;
	[tilespmem:s30+$0x1090] =	vst v0;
	(pc) =	sbr.rel @p0 .LBB2_15-.Ltmp7, $4  }
0x12c: {  	[spmem:s2] =	stream.indirect.scatter.add.f32 [tilespmem:s23], [sflag:$0x3], $0x80, s17, s22, $0xb8;
	[tilespmem:$0x1D000] =	vst v63  }
0x12d: {  	_ =	swait.ge [sflag:s20], $0x4000  }
0x12e: {  	[sflag:s20] =	ssyncset.done $0x0  }
0x12f: {  	[sflag:s20] =	ssyncadd.s32 $0xFFFFC000  }
0x130: {  	s4 =	sadd.s32 $0x1, s4  }
0x131: {  	p0 =	sne.s32 s4, $0x5  }
.Ltmp8:
0x132: {  	_ = 	snop;
	(pc) =	sbr.rel @p0 .LBB2_14-.Ltmp8, $1  }
0x133: {  	_ =	sdelay $0x3  }
0x134: {  	[bflag:$0x0] =	sbarrier.arrive $0xFFFF  }
0x135: {  	s0 =	rddreg [dreg:$0x6]  }
0x136: {  	[hbm:s0], [sflag:s12] =	dma.local [spmem:s19], $0x2800  }
0x137: {  	_ =	swait.ge [sflag:s20], $0x2800  }
0x138: {  	s3 =	sadd.s32 $0x1, s3;
	s31 =	rddreg [dreg:$0x7]  }
0x139: {  	p0 =	sne.s32 s3, s31  }
.Ltmp9:
0x13a: {  	_ = 	snop;
	(pc) =	sbr.rel @p0 .LBB2_1-.Ltmp9, $3  }
0x13b: {  	_ =	sdelay $0x1  }
0x13c: {  	[sflag:s20] =	ssyncset.done $0x0  }
0x13d: {  	[sflag:s20] =	ssyncadd.s32 $0xFFFFD800  }
0x13e: {  	_ =	sfence.sel $0x180000  }
0x13f: {  	[bflag:$0x0] =	sbarrier.arrive $0xFFFF  }
0x140: {  	_ =	strace $0x90000047  }
0x141: {  	s0 =	stileid.u32;
	[bflag:$0x2] =	sbarrier.arrive $0xFFFF  }
0x142: {  	p0 =	sne.s32 s0, $0x0;
	s0 =	rddreg [dreg:$0x3]  }
0x143: {  	s0 =	sadd.s32 @!p0 $0x100000, s0  }
0x144: {  	[sflag:s0] =	ssyncadd.tile.s32 @!p0 $0x1;
	_ =	shalt  }
.Lfunc_end2:
_tile_overlayer_lowered:
.L_overlay_start_2:
0x145: {  	(tag) =	ssettag $0x2  }
0x146: {  	s0 =	rddreg [dreg:$0x0];
	s2 =	stileid.u32  }
0x147: {  	s1 =	rddreg [dreg:$0x1];
	p0 =	sne.s32 s2, $0x0  }
0x148: {  	s3 =	rddreg [dreg:$0x2];
	[bflag:$0x3] =	sbarrier.arrive $0xFFFF;
	s2 =	simm.s32 @!p0 $0x1C03  }
0x149: {  	[timem:s3], [sflag:s2] =	dma.local @!p0 [hbm:s0], s1  }
0x14a: {  	s0 =	simm.s32 @!p0 $0x3  }
0x14b: {  	_ =	swait.ge @!p0 [sflag:s0], s1  }
0x14c: {  	s1 =	ssub.s32 @!p0 $0x0, s1;
	[sflag:s0] =	ssyncset.done @!p0 $0x0  }
0x14d: {  	[sflag:s0] =	ssyncadd.s32 @!p0 s1  }
0x14e: {  	[bflag:$0x3] =	sbarrier.arrive $0xFFFF  }
0x14f: {  	_ =	shalt  }

</sc_bundles>
